<compile_context>
chip_gen: v7x
topology: tpu7x:2x2x1
jax: 0.10.2.dev20260603
libtpu: 0.0.44.dev20260713+nightly
codegen_flags: <defaults>
</compile_context>

<pallas_src>
import functools

import jax
import jax.numpy as jnp
from jax import lax
from jax.experimental import pallas as pl
from jax.experimental.pallas import tpu as pltpu
from jax.experimental.pallas import tpu_sc as plsc

_N = 10000
_E = 160000
_IN = 32
_HID = 32
_ED = 16
_EPS = 1e-5

_NW = 32
_EW = _E // _NW
_CH = 128
_NCH = _EW // _CH
_CHT = _EW - _NCH * _CH
_RPT = _N // 16

_EB = 3200


def _norm_body(x_ref, o_ref):
    x = x_ref[...]
    mu = jnp.mean(x, axis=0, keepdims=True)
    xc = x - mu
    var = jnp.mean(xc * xc, axis=0, keepdims=True)
    o_ref[...] = xc * lax.rsqrt(var + _EPS)


def _norm(x):
    return pl.pallas_call(
        _norm_body,
        out_shape=jax.ShapeDtypeStruct((_N, _IN), jnp.float32),
    )(x)


def _sc_gather(xn, src):
    mesh = plsc.VectorSubcoreMesh(core_axis_name="c", subcore_axis_name="s")

    @functools.partial(
        pl.kernel,
        mesh=mesh,
        out_type=jax.ShapeDtypeStruct((_E, _IN), jnp.float32),
        scratch_types=[
            pltpu.VMEM((_EW,), jnp.int32),
            pltpu.VMEM((_CH, _IN), jnp.float32),
            pltpu.VMEM((_CHT, _IN), jnp.float32),
            pltpu.SemaphoreType.DMA,
        ],
        compiler_params=pltpu.CompilerParams(use_tc_tiling_on_sc=False),
    )
    def k(xn_hbm, src_hbm, xs_hbm, idx_v, rows_v, rows_t, sem):
        wid = lax.axis_index("s") * 2 + lax.axis_index("c")
        base = wid * _EW
        pltpu.sync_copy(src_hbm.at[pl.ds(base, _EW)], idx_v)

        def body(i, carry):
            off = i * _CH
            pltpu.async_copy(
                xn_hbm.at[idx_v.at[pl.ds(off, _CH)]], rows_v, sem).wait()
            pltpu.sync_copy(rows_v, xs_hbm.at[pl.ds(base + off, _CH)])
            return carry

        lax.fori_loop(0, _NCH, body, 0)
        pltpu.async_copy(
            xn_hbm.at[idx_v.at[pl.ds(_NCH * _CH, _CHT)]], rows_t, sem).wait()
        pltpu.sync_copy(rows_t, xs_hbm.at[pl.ds(base + _NCH * _CH, _CHT)])

    return k(xn, src)


def _mlp_body(ea8_ref, xs4_ref, w1bd, b1t, w2bd, b2t, w3bd, b3t, pm8, msg4_ref):
    f32 = jnp.float32
    bf16 = jnp.bfloat16
    h = jnp.maximum(jnp.dot(ea8_ref[...].astype(bf16), w1bd[...], preferred_element_type=f32) + b1t[...], 0.0)
    h = jnp.maximum(jnp.dot(h.astype(bf16), w2bd[...], preferred_element_type=f32) + b2t[...], 0.0)
    w8 = jnp.maximum(jnp.dot(h.astype(bf16), w3bd[...], preferred_element_type=f32) + b3t[...], 0.0)
    xs8 = xs4_ref[...].reshape(_EB // 8, 256)
    xsr8 = jnp.dot(xs8.astype(bf16), pm8[...], preferred_element_type=f32)
    prod = xsr8 * w8
    parts = []
    for m in range(8):
        seg = prod[:, 1024 * m:1024 * (m + 1)]
        red = seg[:, 0:128]
        for c in range(1, 8):
            red = red + seg[:, 128 * c:128 * (c + 1)]
        parts.append((red[:, 0:32] + red[:, 32:64]) + (red[:, 64:96] + red[:, 96:128]))
    msg8 = jnp.concatenate(parts, axis=1)
    msg4_ref[...] = msg8.reshape(_EB // 4, 128)


def _mlp(ea8, xs4, w1bd, b1t, w2bd, b2t, w3bd, b3t, pm8):
    full = lambda shape: pl.BlockSpec(shape, lambda p: (0, 0))
    return pl.pallas_call(
        _mlp_body,
        grid=(_E // _EB,),
        in_specs=[
            pl.BlockSpec((_EB // 8, 128), lambda p: (p, 0)),
            pl.BlockSpec((_EB // 4, 128), lambda p: (p, 0)),
            full((128, 256)), full((1, 256)),
            full((256, 256)), full((1, 256)),
            full((256, 8192)), full((1, 8192)),
            full((256, 8192)),
        ],
        out_specs=pl.BlockSpec((_EB // 4, 128), lambda p: (p, 0)),
        out_shape=jax.ShapeDtypeStruct((_E // 4, 128), jnp.float32),
    )(ea8, xs4, w1bd, b1t, w2bd, b2t, w3bd, b3t, pm8)


def _sc_scatter(msg, dst, zrows):
    mesh = plsc.VectorSubcoreMesh(core_axis_name="c", subcore_axis_name="s")

    @functools.partial(
        pl.kernel,
        mesh=mesh,
        out_type=jax.ShapeDtypeStruct((2, _N, _HID), jnp.float32),
        scratch_types=[
            pltpu.VMEM((_CH,), jnp.int32),
            pltpu.VMEM((_CH, _HID), jnp.float32),
            pltpu.VMEM((_CHT,), jnp.int32),
            pltpu.VMEM((_CHT, _HID), jnp.float32),
            pltpu.VMEM_SHARED((_N, _HID), jnp.float32),
        ],
        compiler_params=pltpu.CompilerParams(use_tc_tiling_on_sc=False),
    )
    def k(msg_hbm, dst_hbm, z_hbm, out_hbm, idx_v, rows_v, idx_t, rows_t, acc_sh):
        cid = lax.axis_index("c")
        sid = lax.axis_index("s")
        wid = sid * 2 + cid
        r0 = sid * _RPT
        pltpu.sync_copy(z_hbm.at[pl.ds(r0, _RPT)], acc_sh.at[pl.ds(r0, _RPT)])
        plsc.subcore_barrier()

        base = wid * _EW

        def body(i, carry):
            off = base + i * _CH
            pltpu.sync_copy(dst_hbm.at[pl.ds(off, _CH)], idx_v)
            pltpu.sync_copy(msg_hbm.at[pl.ds(off, _CH)], rows_v)
            pltpu.sync_copy(rows_v, acc_sh.at[idx_v], add=True)
            return carry

        lax.fori_loop(0, _NCH, body, 0)
        toff = base + _NCH * _CH
        pltpu.sync_copy(dst_hbm.at[pl.ds(toff, _CHT)], idx_t)
        pltpu.sync_copy(msg_hbm.at[pl.ds(toff, _CHT)], rows_t)
        pltpu.sync_copy(rows_t, acc_sh.at[idx_t], add=True)

        plsc.subcore_barrier()
        pltpu.sync_copy(acc_sh.at[pl.ds(r0, _RPT)], out_hbm.at[cid, pl.ds(r0, _RPT)])

    return k(msg, dst, zrows)


def _final_body(a0_ref, a1_ref, xn_ref, rt, nb, l1, c1, l2, c2, o_ref):
    f32 = jnp.float32
    t = a0_ref[...] + a1_ref[...] + jnp.dot(xn_ref[...], rt[...], preferred_element_type=f32) + nb[...]
    t = jnp.maximum(t, 0.0)
    t = jnp.maximum(jnp.dot(t, l1[...], preferred_element_type=f32) + c1[...], 0.0)
    o_ref[...] = jnp.dot(t, l2[...], preferred_element_type=f32) + c2[...]


def _final(a0, a1, xn, rt, nb, l1, c1, l2, c2):
    nb_rows = 2000
    full = lambda shape: pl.BlockSpec(shape, lambda p: (0, 0))
    return pl.pallas_call(
        _final_body,
        grid=(_N // nb_rows,),
        in_specs=[
            pl.BlockSpec((nb_rows, _HID), lambda p: (p, 0)),
            pl.BlockSpec((nb_rows, _HID), lambda p: (p, 0)),
            pl.BlockSpec((nb_rows, _IN), lambda p: (p, 0)),
            full((_IN, _HID)), full((1, _HID)),
            full((_HID, _HID)), full((1, _HID)),
            full((_HID, _IN)), full((1, _IN)),
        ],
        out_specs=pl.BlockSpec((nb_rows, _IN), lambda p: (p, 0)),
        out_shape=jax.ShapeDtypeStruct((_N, _IN), jnp.float32),
    )(a0, a1, xn, rt, nb, l1, c1, l2, c2)


def kernel(x, edge_index, edge_attr, W1, b1, W2, b2, W3, b3, root, ncb, L1, bL1, L2, bL2):
    f32 = jnp.float32
    bf16 = jnp.bfloat16
    src = edge_index[0]
    dst = edge_index[1]

    pm = jnp.kron(jnp.eye(_IN, dtype=bf16), jnp.ones((1, _HID), bf16))
    eye8 = jnp.eye(8, dtype=bf16)
    w1bd = jnp.kron(eye8, W1.astype(bf16))
    w2bd = jnp.kron(eye8, W2.astype(bf16))
    w3bd = jnp.kron(eye8, W3.astype(bf16))
    pm8 = jnp.kron(eye8, pm)
    b1t = jnp.tile(b1, 8).reshape(1, -1)
    b2t = jnp.tile(b2, 8).reshape(1, -1)
    b3t = jnp.tile(b3, 8).reshape(1, -1)

    xn = _norm(x)
    xs = _sc_gather(xn, src)
    msg4 = _mlp(edge_attr.reshape(_E // 8, 128), xs.reshape(_E // 4, 128),
                w1bd, b1t, w2bd, b2t, w3bd, b3t, pm8)
    agg2 = _sc_scatter(msg4.reshape(_E, _HID), dst, jnp.zeros((_N, _HID), f32))
    return _final(agg2[0], agg2[1], xn, root, ncb.reshape(1, -1),
                  L1, bL1.reshape(1, -1), L2, bL2.reshape(1, -1))

# --- scband reference (transcript-rebuilt; emitter-appended) ---
"""Pipeline reference for scband-feature-map-large-edge-3195455668525 (READ-ONLY COPY).

The authoritative reference and input builder live on the scoring server;
editing this copy changes nothing except your own understanding.
"""

import jax, jax.numpy as jnp
import numpy as np

N = 10000
E = 160000
IN = 32
OUT = 32
HID = 32  # hidden = max(in_dim, out_dim)
ED = 16
EPS = 1e-5


def _init(key, shape, fan_in):
    return jax.random.uniform(key, shape, jnp.float32, -1.0, 1.0) / np.sqrt(fan_in)


def setup_inputs(seed: int = 0) -> dict:
    key = jax.random.key(seed)
    ks = jax.random.split(key, 16)
    return {
        "x": jax.random.normal(ks[0], (N, IN), jnp.float32),
        "edge_index": jax.random.randint(ks[1], (2, E), 0, N, dtype=jnp.int32),
        "edge_attr": jax.random.normal(ks[2], (E, ED), jnp.float32),
        # edge nn: Linear(ED,HID) -> ReLU -> Linear(HID,HID) -> ReLU -> Linear(HID,HID*IN) -> ReLU
        "W1": _init(ks[3], (ED, HID), ED),
        "b1": _init(ks[4], (HID,), ED),
        "W2": _init(ks[5], (HID, HID), HID),
        "b2": _init(ks[6], (HID,), HID),
        "W3": _init(ks[7], (HID, HID * IN), HID),
        "b3": _init(ks[8], (HID * IN,), HID),
        # NNConv root weight and bias
        "root": _init(ks[9], (IN, HID), IN),
        "ncb": _init(ks[10], (HID,), IN),
        # fmap lins: Linear(HID,HID) -> ReLU -> Linear(HID,OUT)
        "L1": _init(ks[11], (HID, HID), HID),
        "bL1": _init(ks[12], (HID,), HID),
        "L2": _init(ks[13], (HID, OUT), HID),
        "bL2": _init(ks[14], (OUT,), HID),
    }


def reference(x, edge_index, edge_attr, W1, b1, W2, b2, W3, b3, root, ncb, L1, bL1, L2, bL2):
    # InstanceNorm (single graph, affine=False): per-channel normalization over nodes
    mean = jnp.mean(x, axis=0, keepdims=True)
    var = jnp.var(x, axis=0, keepdims=True)
    xn = (x - mean) / jnp.sqrt(var + EPS)

    src = edge_index[0]
    dst = edge_index[1]

    # edge network -> per-edge weight matrices [E, IN, HID]
    h = jax.nn.relu(edge_attr @ W1 + b1)
    h = jax.nn.relu(h @ W2 + b2)
    w = jax.nn.relu(h @ W3 + b3)
    w = w.reshape(E, IN, HID)

    # NNConv: message = x_src^T @ W_e, aggregate (add) at dst, plus root term and bias
    msg = jnp.einsum("ei,eio->eo", xn[src], w)
    agg = jax.ops.segment_sum(msg, dst, num_segments=N)
    out = agg + xn @ root + ncb

    out = jax.nn.relu(out)
    out = jax.nn.relu(out @ L1 + bL1)
    out = out @ L2 + bL2
    return out

if __name__ == "__main__":
    import jax
    _d = setup_inputs()
    print(jax.jit(kernel)(*tuple(_d.values())))

</pallas_src>

<mosaic_0001>
#map = affine_map<(d0, d1) -> (0, 0)>
#map1 = affine_map<(d0, d1) -> (0)>
module attributes {stable_mosaic.version = 14 : i64} {
  func.func @k(%arg0: i32, %arg1: i32, %arg2: memref<10000x32xf32, #tpu.memory_space<hbm>>, %arg3: memref<160000xi32, #tpu.memory_space<hbm>>, %arg4: memref<160000x32xf32, #tpu.memory_space<hbm>>, %arg5: memref<5000xi32, #tpu.memory_space<vmem>>, %arg6: memref<128x32xf32, #tpu.memory_space<vmem>>, %arg7: memref<8x32xf32, #tpu.memory_space<vmem>>, %arg8: memref<!tpu.dma_semaphore, #tpu.memory_space<semaphore_mem>>) attributes {dimension_semantics = [#tpu.dimension_semantics<core_parallel>, #tpu.dimension_semantics<subcore_parallel>], iteration_bounds = array<i64: 2, 16>, scalar_prefetch = 0 : i64, scratch_operands = 4 : i64, tpu.core_type = #tpu.core_type<sc_vector_subcore>, window_params = [{transform_indices = #map}, {transform_indices = #map1}, {transform_indices = #map}]} {
    %mul3A = arith.constant 2 : i32
    %mul3A_0 = arith.muli %arg1, %mul3A : i32
    %add3A = arith.addi %mul3A_0, %arg0 : i32
    %mul3A_1 = arith.constant 5000 : i32
    %mul3A_2 = arith.muli %add3A, %mul3A_1 : i32
    "tpu.region"() ({
      %run_scoped3A = tpu.sem_alloc : memref<!tpu.dma_semaphore, #tpu.memory_space<semaphore_mem>>
      %dma_start3A_18 = tpu.memref_slice %arg3[%mul3A_2] : memref<160000xi32, #tpu.memory_space<hbm>> -> memref<5000xi32, #tpu.memory_space<hbm>>
      %dma_start3A_19 = tpu.memref_slice %arg3[%mul3A_2] : memref<160000xi32, #tpu.memory_space<hbm>> -> memref<5000xi32, #tpu.memory_space<hbm>>
      tpu.enqueue_dma source(%dma_start3A_19 : memref<5000xi32, #tpu.memory_space<hbm>>) target(%arg5 : memref<5000xi32, #tpu.memory_space<vmem>>) target_semaphore(%run_scoped3A : memref<!tpu.dma_semaphore, #tpu.memory_space<semaphore_mem>>)
      %dma_wait3A_20 = tpu.memref_slice %arg3[%mul3A_2] : memref<160000xi32, #tpu.memory_space<hbm>> -> memref<5000xi32, #tpu.memory_space<hbm>>
      %dma_wait3A_21 = tpu.memref_slice %arg3[%mul3A_2] : memref<160000xi32, #tpu.memory_space<hbm>> -> memref<5000xi32, #tpu.memory_space<hbm>>
      tpu.wait_dma2 semaphore(%run_scoped3A : memref<!tpu.dma_semaphore, #tpu.memory_space<semaphore_mem>>) src(%dma_wait3A_21 : memref<5000xi32, #tpu.memory_space<hbm>>) dst(%arg5 : memref<5000xi32, #tpu.memory_space<vmem>>)
      tpu.yield
    }) : () -> ()
    %scan3A = arith.constant 0 : i32
    %scan3A_3 = arith.constant 0 : i32
    %scan3A_4 = arith.constant 39 : i32
    %scan3A_5 = arith.addi %scan3A_3, %scan3A_4 : i32
    %scan3A_6 = arith.constant 1 : i32
    scf.for %scan3A_18 = %scan3A_3 to %scan3A_5 step %scan3A_6  : i32 {
      %mul3A_19 = arith.constant 128 : i32
      %mul3A_20 = arith.muli %scan3A_18, %mul3A_19 : i32
      %dma_start3A_21 = tpu.memref_slice %arg5[%mul3A_20] : memref<5000xi32, #tpu.memory_space<vmem>> -> memref<128xi32, #tpu.memory_space<vmem>>
      %dma_start3A_22 = arith.constant 0 : i32
      %dma_start3A_23 = arith.constant 0 : i32
      %dma_start3A_24 = tpu.memref_slice %arg2[%dma_start3A_22, %dma_start3A_23] : memref<10000x32xf32, #tpu.memory_space<hbm>> -> memref<10000x32xf32, #tpu.memory_space<hbm>>
      tpu.enqueue_indirect_dma source(%dma_start3A_24 : memref<10000x32xf32, #tpu.memory_space<hbm>>) target(%arg6 : memref<128x32xf32, #tpu.memory_space<vmem>>) offsets(%dma_start3A_21 : memref<128xi32, #tpu.memory_space<vmem>>) semaphore(%arg8 : memref<!tpu.dma_semaphore, #tpu.memory_space<semaphore_mem>>)
      %dma_wait3A_25 = tpu.memref_slice %arg5[%mul3A_20] : memref<5000xi32, #tpu.memory_space<vmem>> -> memref<128xi32, #tpu.memory_space<vmem>>
      %dma_wait3A_26 = arith.constant 0 : i32
      %dma_wait3A_27 = arith.constant 0 : i32
      %dma_wait3A_28 = tpu.memref_slice %arg2[%dma_wait3A_26, %dma_wait3A_27] : memref<10000x32xf32, #tpu.memory_space<hbm>> -> memref<10000x32xf32, #tpu.memory_space<hbm>>
      tpu.wait_indirect_dma semaphore(%arg8 : memref<!tpu.dma_semaphore, #tpu.memory_space<semaphore_mem>>) src(%dma_wait3A_28 : memref<10000x32xf32, #tpu.memory_space<hbm>>) dst(%arg6 : memref<128x32xf32, #tpu.memory_space<vmem>>)
      %add3A_29 = arith.addi %mul3A_2, %mul3A_20 : i32
      "tpu.region"() ({
        %run_scoped3A = tpu.sem_alloc : memref<!tpu.dma_semaphore, #tpu.memory_space<semaphore_mem>>
        %dma_start3A_30 = arith.constant 0 : i32
        %dma_start3A_31 = tpu.memref_slice %arg4[%add3A_29, %dma_start3A_30] : memref<160000x32xf32, #tpu.memory_space<hbm>> -> memref<128x32xf32, #tpu.memory_space<hbm>>
        %dma_start3A_32 = arith.constant 0 : i32
        %dma_start3A_33 = tpu.memref_slice %arg4[%add3A_29, %dma_start3A_32] : memref<160000x32xf32, #tpu.memory_space<hbm>> -> memref<128x32xf32, #tpu.memory_space<hbm>>
        tpu.enqueue_dma source(%arg6 : memref<128x32xf32, #tpu.memory_space<vmem>>) target(%dma_start3A_33 : memref<128x32xf32, #tpu.memory_space<hbm>>) target_semaphore(%run_scoped3A : memref<!tpu.dma_semaphore, #tpu.memory_space<semaphore_mem>>)
        %dma_wait3A_34 = arith.constant 0 : i32
        %dma_wait3A_35 = tpu.memref_slice %arg4[%add3A_29, %dma_wait3A_34] : memref<160000x32xf32, #tpu.memory_space<hbm>> -> memref<128x32xf32, #tpu.memory_space<hbm>>
        %dma_wait3A_36 = arith.constant 0 : i32
        %dma_wait3A_37 = tpu.memref_slice %arg4[%add3A_29, %dma_wait3A_36] : memref<160000x32xf32, #tpu.memory_space<hbm>> -> memref<128x32xf32, #tpu.memory_space<hbm>>
        tpu.wait_dma2 semaphore(%run_scoped3A : memref<!tpu.dma_semaphore, #tpu.memory_space<semaphore_mem>>) src(%arg6 : memref<128x32xf32, #tpu.memory_space<vmem>>) dst(%dma_wait3A_37 : memref<128x32xf32, #tpu.memory_space<hbm>>)
        tpu.yield
      }) : () -> ()
    }
    %scan3A_7 = arith.constant 39 : i32
    %dma_start3A = arith.constant 4992 : i32
    %dma_start3A_8 = tpu.memref_slice %arg5[%dma_start3A] : memref<5000xi32, #tpu.memory_space<vmem>> -> memref<8xi32, #tpu.memory_space<vmem>>
    %dma_start3A_9 = arith.constant 0 : i32
    %dma_start3A_10 = arith.constant 0 : i32
    %dma_start3A_11 = tpu.memref_slice %arg2[%dma_start3A_9, %dma_start3A_10] : memref<10000x32xf32, #tpu.memory_space<hbm>> -> memref<10000x32xf32, #tpu.memory_space<hbm>>
    tpu.enqueue_indirect_dma source(%dma_start3A_11 : memref<10000x32xf32, #tpu.memory_space<hbm>>) target(%arg7 : memref<8x32xf32, #tpu.memory_space<vmem>>) offsets(%dma_start3A_8 : memref<8xi32, #tpu.memory_space<vmem>>) semaphore(%arg8 : memref<!tpu.dma_semaphore, #tpu.memory_space<semaphore_mem>>)
    %dma_wait3A = arith.constant 4992 : i32
    %dma_wait3A_12 = tpu.memref_slice %arg5[%dma_wait3A] : memref<5000xi32, #tpu.memory_space<vmem>> -> memref<8xi32, #tpu.memory_space<vmem>>
    %dma_wait3A_13 = arith.constant 0 : i32
    %dma_wait3A_14 = arith.constant 0 : i32
    %dma_wait3A_15 = tpu.memref_slice %arg2[%dma_wait3A_13, %dma_wait3A_14] : memref<10000x32xf32, #tpu.memory_space<hbm>> -> memref<10000x32xf32, #tpu.memory_space<hbm>>
    tpu.wait_indirect_dma semaphore(%arg8 : memref<!tpu.dma_semaphore, #tpu.memory_space<semaphore_mem>>) src(%dma_wait3A_15 : memref<10000x32xf32, #tpu.memory_space<hbm>>) dst(%arg7 : memref<8x32xf32, #tpu.memory_space<vmem>>)
    %add3A_16 = arith.constant 4992 : i32
    %add3A_17 = arith.addi %mul3A_2, %add3A_16 : i32
    "tpu.region"() ({
      %run_scoped3A = tpu.sem_alloc : memref<!tpu.dma_semaphore, #tpu.memory_space<semaphore_mem>>
      %dma_start3A_18 = arith.constant 0 : i32
      %dma_start3A_19 = tpu.memref_slice %arg4[%add3A_17, %dma_start3A_18] : memref<160000x32xf32, #tpu.memory_space<hbm>> -> memref<8x32xf32, #tpu.memory_space<hbm>>
      %dma_start3A_20 = arith.constant 0 : i32
      %dma_start3A_21 = tpu.memref_slice %arg4[%add3A_17, %dma_start3A_20] : memref<160000x32xf32, #tpu.memory_space<hbm>> -> memref<8x32xf32, #tpu.memory_space<hbm>>
      tpu.enqueue_dma source(%arg7 : memref<8x32xf32, #tpu.memory_space<vmem>>) target(%dma_start3A_21 : memref<8x32xf32, #tpu.memory_space<hbm>>) target_semaphore(%run_scoped3A : memref<!tpu.dma_semaphore, #tpu.memory_space<semaphore_mem>>)
      %dma_wait3A_22 = arith.constant 0 : i32
      %dma_wait3A_23 = tpu.memref_slice %arg4[%add3A_17, %dma_wait3A_22] : memref<160000x32xf32, #tpu.memory_space<hbm>> -> memref<8x32xf32, #tpu.memory_space<hbm>>
      %dma_wait3A_24 = arith.constant 0 : i32
      %dma_wait3A_25 = tpu.memref_slice %arg4[%add3A_17, %dma_wait3A_24] : memref<160000x32xf32, #tpu.memory_space<hbm>> -> memref<8x32xf32, #tpu.memory_space<hbm>>
      tpu.wait_dma2 semaphore(%run_scoped3A : memref<!tpu.dma_semaphore, #tpu.memory_space<semaphore_mem>>) src(%arg7 : memref<8x32xf32, #tpu.memory_space<vmem>>) dst(%dma_wait3A_25 : memref<8x32xf32, #tpu.memory_space<hbm>>)
      tpu.yield
    }) : () -> ()
    return
  }
}

#map = affine_map<(d0, d1) -> (0, 0)>
#map1 = affine_map<(d0, d1) -> (0)>
#map2 = affine_map<(d0, d1) -> (0, 0, 0)>
module attributes {stable_mosaic.version = 14 : i64} {
  func.func @k(%arg0: i32, %arg1: i32, %arg2: memref<160000x32xf32, #tpu.memory_space<hbm>>, %arg3: memref<160000xi32, #tpu.memory_space<hbm>>, %arg4: memref<10000x32xf32, #tpu.memory_space<hbm>>, %arg5: memref<2x10000x32xf32, #tpu.memory_space<hbm>>, %arg6: memref<128xi32, #tpu.memory_space<vmem>>, %arg7: memref<128x32xf32, #tpu.memory_space<vmem>>, %arg8: memref<8xi32, #tpu.memory_space<vmem>>, %arg9: memref<8x32xf32, #tpu.memory_space<vmem>>, %arg10: memref<10000x32xf32, #tpu.memory_space<vmem_shared>>) attributes {dimension_semantics = [#tpu.dimension_semantics<core_parallel>, #tpu.dimension_semantics<subcore_parallel>], iteration_bounds = array<i64: 2, 16>, scalar_prefetch = 0 : i64, scratch_operands = 5 : i64, tpu.core_type = #tpu.core_type<sc_vector_subcore>, window_params = [{transform_indices = #map}, {transform_indices = #map1}, {transform_indices = #map}, {transform_indices = #map2}]} {
    %mul3A = arith.constant 2 : i32
    %mul3A_0 = arith.muli %arg1, %mul3A : i32
    %add3A = arith.addi %mul3A_0, %arg0 : i32
    %mul3A_1 = arith.constant 625 : i32
    %mul3A_2 = arith.muli %arg1, %mul3A_1 : i32
    "tpu.region"() ({
      %run_scoped3A = tpu.sem_alloc : memref<!tpu.dma_semaphore, #tpu.memory_space<semaphore_mem>>
      %dma_start3A = arith.constant 0 : i32
      %dma_start3A_13 = tpu.memref_slice %arg10[%mul3A_2, %dma_start3A] : memref<10000x32xf32, #tpu.memory_space<vmem_shared>> -> memref<625x32xf32, #tpu.memory_space<vmem_shared>>
      %dma_start3A_14 = arith.constant 0 : i32
      %dma_start3A_15 = tpu.memref_slice %arg4[%mul3A_2, %dma_start3A_14] : memref<10000x32xf32, #tpu.memory_space<hbm>> -> memref<625x32xf32, #tpu.memory_space<hbm>>
      tpu.enqueue_dma source(%dma_start3A_15 : memref<625x32xf32, #tpu.memory_space<hbm>>) target(%dma_start3A_13 : memref<625x32xf32, #tpu.memory_space<vmem_shared>>) target_semaphore(%run_scoped3A : memref<!tpu.dma_semaphore, #tpu.memory_space<semaphore_mem>>)
      %dma_wait3A = arith.constant 0 : i32
      %dma_wait3A_16 = tpu.memref_slice %arg10[%mul3A_2, %dma_wait3A] : memref<10000x32xf32, #tpu.memory_space<vmem_shared>> -> memref<625x32xf32, #tpu.memory_space<vmem_shared>>
      %dma_wait3A_17 = arith.constant 0 : i32
      %dma_wait3A_18 = tpu.memref_slice %arg4[%mul3A_2, %dma_wait3A_17] : memref<10000x32xf32, #tpu.memory_space<hbm>> -> memref<625x32xf32, #tpu.memory_space<hbm>>
      tpu.wait_dma2 semaphore(%run_scoped3A : memref<!tpu.dma_semaphore, #tpu.memory_space<semaphore_mem>>) src(%dma_wait3A_18 : memref<625x32xf32, #tpu.memory_space<hbm>>) dst(%dma_wait3A_16 : memref<625x32xf32, #tpu.memory_space<vmem_shared>>)
      tpu.yield
    }) : () -> ()
    %barrier3A = arith.constant 0 : index
    tpu.barrier barrier_id(%barrier3A)
    %mul3A_3 = arith.constant 5000 : i32
    %mul3A_4 = arith.muli %add3A, %mul3A_3 : i32
    %scan3A = arith.constant 0 : i32
    %scan3A_5 = arith.constant 0 : i32
    %scan3A_6 = arith.constant 39 : i32
    %scan3A_7 = arith.addi %scan3A_5, %scan3A_6 : i32
    %scan3A_8 = arith.constant 1 : i32
    scf.for %scan3A_13 = %scan3A_5 to %scan3A_7 step %scan3A_8  : i32 {
      %mul3A_14 = arith.constant 128 : i32
      %mul3A_15 = arith.muli %scan3A_13, %mul3A_14 : i32
      %add3A_16 = arith.addi %mul3A_4, %mul3A_15 : i32
      "tpu.region"() ({
        %run_scoped3A = tpu.sem_alloc : memref<!tpu.dma_semaphore, #tpu.memory_space<semaphore_mem>>
        %dma_start3A = tpu.memref_slice %arg3[%add3A_16] : memref<160000xi32, #tpu.memory_space<hbm>> -> memref<128xi32, #tpu.memory_space<hbm>>
        %dma_start3A_17 = tpu.memref_slice %arg3[%add3A_16] : memref<160000xi32, #tpu.memory_space<hbm>> -> memref<128xi32, #tpu.memory_space<hbm>>
        tpu.enqueue_dma source(%dma_start3A_17 : memref<128xi32, #tpu.memory_space<hbm>>) target(%arg6 : memref<128xi32, #tpu.memory_space<vmem>>) target_semaphore(%run_scoped3A : memref<!tpu.dma_semaphore, #tpu.memory_space<semaphore_mem>>)
        %dma_wait3A = tpu.memref_slice %arg3[%add3A_16] : memref<160000xi32, #tpu.memory_space<hbm>> -> memref<128xi32, #tpu.memory_space<hbm>>
        %dma_wait3A_18 = tpu.memref_slice %arg3[%add3A_16] : memref<160000xi32, #tpu.memory_space<hbm>> -> memref<128xi32, #tpu.memory_space<hbm>>
        tpu.wait_dma2 semaphore(%run_scoped3A : memref<!tpu.dma_semaphore, #tpu.memory_space<semaphore_mem>>) src(%dma_wait3A_18 : memref<128xi32, #tpu.memory_space<hbm>>) dst(%arg6 : memref<128xi32, #tpu.memory_space<vmem>>)
        tpu.yield
      }) : () -> ()
      "tpu.region"() ({
        %run_scoped3A = tpu.sem_alloc : memref<!tpu.dma_semaphore, #tpu.memory_space<semaphore_mem>>
        %dma_start3A = arith.constant 0 : i32
        %dma_start3A_17 = tpu.memref_slice %arg2[%add3A_16, %dma_start3A] : memref<160000x32xf32, #tpu.memory_space<hbm>> -> memref<128x32xf32, #tpu.memory_space<hbm>>
        %dma_start3A_18 = arith.constant 0 : i32
        %dma_start3A_19 = tpu.memref_slice %arg2[%add3A_16, %dma_start3A_18] : memref<160000x32xf32, #tpu.memory_space<hbm>> -> memref<128x32xf32, #tpu.memory_space<hbm>>
        tpu.enqueue_dma source(%dma_start3A_19 : memref<128x32xf32, #tpu.memory_space<hbm>>) target(%arg7 : memref<128x32xf32, #tpu.memory_space<vmem>>) target_semaphore(%run_scoped3A : memref<!tpu.dma_semaphore, #tpu.memory_space<semaphore_mem>>)
        %dma_wait3A = arith.constant 0 : i32
        %dma_wait3A_20 = tpu.memref_slice %arg2[%add3A_16, %dma_wait3A] : memref<160000x32xf32, #tpu.memory_space<hbm>> -> memref<128x32xf32, #tpu.memory_space<hbm>>
        %dma_wait3A_21 = arith.constant 0 : i32
        %dma_wait3A_22 = tpu.memref_slice %arg2[%add3A_16, %dma_wait3A_21] : memref<160000x32xf32, #tpu.memory_space<hbm>> -> memref<128x32xf32, #tpu.memory_space<hbm>>
        tpu.wait_dma2 semaphore(%run_scoped3A : memref<!tpu.dma_semaphore, #tpu.memory_space<semaphore_mem>>) src(%dma_wait3A_22 : memref<128x32xf32, #tpu.memory_space<hbm>>) dst(%arg7 : memref<128x32xf32, #tpu.memory_space<vmem>>)
        tpu.yield
      }) : () -> ()
      "tpu.region"() ({
        %run_scoped3A = tpu.sem_alloc : memref<!tpu.dma_semaphore, #tpu.memory_space<semaphore_mem>>
        %dma_start3A = arith.constant 0 : i32
        %dma_start3A_17 = arith.constant 0 : i32
        %dma_start3A_18 = tpu.memref_slice %arg10[%dma_start3A, %dma_start3A_17] : memref<10000x32xf32, #tpu.memory_space<vmem_shared>> -> memref<10000x32xf32, #tpu.memory_space<vmem_shared>>
        tpu.enqueue_indirect_dma source(%arg7 : memref<128x32xf32, #tpu.memory_space<vmem>>) target(%dma_start3A_18 : memref<10000x32xf32, #tpu.memory_space<vmem_shared>>) offsets(%arg6 : memref<128xi32, #tpu.memory_space<vmem>>) semaphore(%run_scoped3A : memref<!tpu.dma_semaphore, #tpu.memory_space<semaphore_mem>>) {add = true}
        %dma_wait3A = arith.constant 0 : i32
        %dma_wait3A_19 = arith.constant 0 : i32
        %dma_wait3A_20 = tpu.memref_slice %arg10[%dma_wait3A, %dma_wait3A_19] : memref<10000x32xf32, #tpu.memory_space<vmem_shared>> -> memref<10000x32xf32, #tpu.memory_space<vmem_shared>>
        tpu.wait_indirect_dma semaphore(%run_scoped3A : memref<!tpu.dma_semaphore, #tpu.memory_space<semaphore_mem>>) src(%arg7 : memref<128x32xf32, #tpu.memory_space<vmem>>) dst(%dma_wait3A_20 : memref<10000x32xf32, #tpu.memory_space<vmem_shared>>)
        tpu.yield
      }) : () -> ()
    }
    %scan3A_9 = arith.constant 39 : i32
    %add3A_10 = arith.constant 4992 : i32
    %add3A_11 = arith.addi %mul3A_4, %add3A_10 : i32
    "tpu.region"() ({
      %run_scoped3A = tpu.sem_alloc : memref<!tpu.dma_semaphore, #tpu.memory_space<semaphore_mem>>
      %dma_start3A = tpu.memref_slice %arg3[%add3A_11] : memref<160000xi32, #tpu.memory_space<hbm>> -> memref<8xi32, #tpu.memory_space<hbm>>
      %dma_start3A_13 = tpu.memref_slice %arg3[%add3A_11] : memref<160000xi32, #tpu.memory_space<hbm>> -> memref<8xi32, #tpu.memory_space<hbm>>
      tpu.enqueue_dma source(%dma_start3A_13 : memref<8xi32, #tpu.memory_space<hbm>>) target(%arg8 : memref<8xi32, #tpu.memory_space<vmem>>) target_semaphore(%run_scoped3A : memref<!tpu.dma_semaphore, #tpu.memory_space<semaphore_mem>>)
      %dma_wait3A = tpu.memref_slice %arg3[%add3A_11] : memref<160000xi32, #tpu.memory_space<hbm>> -> memref<8xi32, #tpu.memory_space<hbm>>
      %dma_wait3A_14 = tpu.memref_slice %arg3[%add3A_11] : memref<160000xi32, #tpu.memory_space<hbm>> -> memref<8xi32, #tpu.memory_space<hbm>>
      tpu.wait_dma2 semaphore(%run_scoped3A : memref<!tpu.dma_semaphore, #tpu.memory_space<semaphore_mem>>) src(%dma_wait3A_14 : memref<8xi32, #tpu.memory_space<hbm>>) dst(%arg8 : memref<8xi32, #tpu.memory_space<vmem>>)
      tpu.yield
    }) : () -> ()
    "tpu.region"() ({
      %run_scoped3A = tpu.sem_alloc : memref<!tpu.dma_semaphore, #tpu.memory_space<semaphore_mem>>
      %dma_start3A = arith.constant 0 : i32
      %dma_start3A_13 = tpu.memref_slice %arg2[%add3A_11, %dma_start3A] : memref<160000x32xf32, #tpu.memory_space<hbm>> -> memref<8x32xf32, #tpu.memory_space<hbm>>
      %dma_start3A_14 = arith.constant 0 : i32
      %dma_start3A_15 = tpu.memref_slice %arg2[%add3A_11, %dma_start3A_14] : memref<160000x32xf32, #tpu.memory_space<hbm>> -> memref<8x32xf32, #tpu.memory_space<hbm>>
      tpu.enqueue_dma source(%dma_start3A_15 : memref<8x32xf32, #tpu.memory_space<hbm>>) target(%arg9 : memref<8x32xf32, #tpu.memory_space<vmem>>) target_semaphore(%run_scoped3A : memref<!tpu.dma_semaphore, #tpu.memory_space<semaphore_mem>>)
      %dma_wait3A = arith.constant 0 : i32
      %dma_wait3A_16 = tpu.memref_slice %arg2[%add3A_11, %dma_wait3A] : memref<160000x32xf32, #tpu.memory_space<hbm>> -> memref<8x32xf32, #tpu.memory_space<hbm>>
      %dma_wait3A_17 = arith.constant 0 : i32
      %dma_wait3A_18 = tpu.memref_slice %arg2[%add3A_11, %dma_wait3A_17] : memref<160000x32xf32, #tpu.memory_space<hbm>> -> memref<8x32xf32, #tpu.memory_space<hbm>>
      tpu.wait_dma2 semaphore(%run_scoped3A : memref<!tpu.dma_semaphore, #tpu.memory_space<semaphore_mem>>) src(%dma_wait3A_18 : memref<8x32xf32, #tpu.memory_space<hbm>>) dst(%arg9 : memref<8x32xf32, #tpu.memory_space<vmem>>)
      tpu.yield
    }) : () -> ()
    "tpu.region"() ({
      %run_scoped3A = tpu.sem_alloc : memref<!tpu.dma_semaphore, #tpu.memory_space<semaphore_mem>>
      %dma_start3A = arith.constant 0 : i32
      %dma_start3A_13 = arith.constant 0 : i32
      %dma_start3A_14 = tpu.memref_slice %arg10[%dma_start3A, %dma_start3A_13] : memref<10000x32xf32, #tpu.memory_space<vmem_shared>> -> memref<10000x32xf32, #tpu.memory_space<vmem_shared>>
      tpu.enqueue_indirect_dma source(%arg9 : memref<8x32xf32, #tpu.memory_space<vmem>>) target(%dma_start3A_14 : memref<10000x32xf32, #tpu.memory_space<vmem_shared>>) offsets(%arg8 : memref<8xi32, #tpu.memory_space<vmem>>) semaphore(%run_scoped3A : memref<!tpu.dma_semaphore, #tpu.memory_space<semaphore_mem>>) {add = true}
      %dma_wait3A = arith.constant 0 : i32
      %dma_wait3A_15 = arith.constant 0 : i32
      %dma_wait3A_16 = tpu.memref_slice %arg10[%dma_wait3A, %dma_wait3A_15] : memref<10000x32xf32, #tpu.memory_space<vmem_shared>> -> memref<10000x32xf32, #tpu.memory_space<vmem_shared>>
      tpu.wait_indirect_dma semaphore(%run_scoped3A : memref<!tpu.dma_semaphore, #tpu.memory_space<semaphore_mem>>) src(%arg9 : memref<8x32xf32, #tpu.memory_space<vmem>>) dst(%dma_wait3A_16 : memref<10000x32xf32, #tpu.memory_space<vmem_shared>>)
      tpu.yield
    }) : () -> ()
    %barrier3A_12 = arith.constant 0 : index
    tpu.barrier barrier_id(%barrier3A_12)
    "tpu.region"() ({
      %run_scoped3A = tpu.sem_alloc : memref<!tpu.dma_semaphore, #tpu.memory_space<semaphore_mem>>
      %dma_start3A = arith.constant 0 : i32
      %dma_start3A_13 = tpu.memref_slice %arg5[%arg0, %mul3A_2, %dma_start3A] : memref<2x10000x32xf32, #tpu.memory_space<hbm>> -> memref<1x625x32xf32, #tpu.memory_space<hbm>>
      %dma_start3A_14 = tpu.memref_squeeze %dma_start3A_13 : memref<1x625x32xf32, #tpu.memory_space<hbm>> -> memref<625x32xf32, #tpu.memory_space<hbm>>
      %dma_start3A_15 = arith.constant 0 : i32
      %dma_start3A_16 = tpu.memref_slice %arg10[%mul3A_2, %dma_start3A_15] : memref<10000x32xf32, #tpu.memory_space<vmem_shared>> -> memref<625x32xf32, #tpu.memory_space<vmem_shared>>
      tpu.enqueue_dma source(%dma_start3A_16 : memref<625x32xf32, #tpu.memory_space<vmem_shared>>) target(%dma_start3A_14 : memref<625x32xf32, #tpu.memory_space<hbm>>) target_semaphore(%run_scoped3A : memref<!tpu.dma_semaphore, #tpu.memory_space<semaphore_mem>>)
      %dma_wait3A = arith.constant 0 : i32
      %dma_wait3A_17 = tpu.memref_slice %arg5[%arg0, %mul3A_2, %dma_wait3A] : memref<2x10000x32xf32, #tpu.memory_space<hbm>> -> memref<1x625x32xf32, #tpu.memory_space<hbm>>
      %dma_wait3A_18 = tpu.memref_squeeze %dma_wait3A_17 : memref<1x625x32xf32, #tpu.memory_space<hbm>> -> memref<625x32xf32, #tpu.memory_space<hbm>>
      %dma_wait3A_19 = arith.constant 0 : i32
      %dma_wait3A_20 = tpu.memref_slice %arg10[%mul3A_2, %dma_wait3A_19] : memref<10000x32xf32, #tpu.memory_space<vmem_shared>> -> memref<625x32xf32, #tpu.memory_space<vmem_shared>>
      tpu.wait_dma2 semaphore(%run_scoped3A : memref<!tpu.dma_semaphore, #tpu.memory_space<semaphore_mem>>) src(%dma_wait3A_20 : memref<625x32xf32, #tpu.memory_space<vmem_shared>>) dst(%dma_wait3A_18 : memref<625x32xf32, #tpu.memory_space<hbm>>)
      tpu.yield
    }) : () -> ()
    return
  }
}

module attributes {stable_mosaic.version = 14 : i64} {
  func.func @_norm_body(%arg0: memref<10000x32xf32, #tpu.memory_space<vmem>>, %arg1: memref<10000x32xf32, #tpu.memory_space<vmem>>) attributes {dimension_semantics = [], scalar_prefetch = 0 : i64, scratch_operands = 0 : i64, tpu.core_type = #tpu.core_type<tc>} {
    %get3A = arith.constant 0 : index
    %get3A_0 = arith.constant 0 : index
    %get3A_1 = vector.load %arg0[%get3A, %get3A_0] : memref<10000x32xf32, #tpu.memory_space<vmem>>, vector<10000x32xf32>
    %reduce_sum3A = arith.constant dense<0.000000e+00> : vector<32xf32>
    %reduce_sum3A_2 = vector.multi_reduction <add>, %get3A_1, %reduce_sum3A [0] : vector<10000x32xf32> to vector<32xf32>
    %broadcast_in_dim3A = vector.shape_cast %reduce_sum3A_2 : vector<32xf32> to vector<1x32xf32>
    %div3A = arith.constant 1.000000e+04 : f32
    %div3A_3 = vector.broadcast %div3A : f32 to vector<1x32xf32>
    %div3A_4 = arith.divf %broadcast_in_dim3A, %div3A_3 : vector<1x32xf32>
    %sub3A = vector.broadcast %div3A_4 : vector<1x32xf32> to vector<10000x32xf32>
    %sub3A_5 = arith.subf %get3A_1, %sub3A : vector<10000x32xf32>
    %mul3A = arith.mulf %sub3A_5, %sub3A_5 : vector<10000x32xf32>
    %reduce_sum3A_6 = arith.constant dense<0.000000e+00> : vector<32xf32>
    %reduce_sum3A_7 = vector.multi_reduction <add>, %mul3A, %reduce_sum3A_6 [0] : vector<10000x32xf32> to vector<32xf32>
    %broadcast_in_dim3A_8 = vector.shape_cast %reduce_sum3A_7 : vector<32xf32> to vector<1x32xf32>
    %div3A_9 = arith.constant 1.000000e+04 : f32
    %div3A_10 = vector.broadcast %div3A_9 : f32 to vector<1x32xf32>
    %div3A_11 = arith.divf %broadcast_in_dim3A_8, %div3A_10 : vector<1x32xf32>
    %add3A = arith.constant 9.99999974E-6 : f32
    %add3A_12 = vector.broadcast %add3A : f32 to vector<1x32xf32>
    %add3A_13 = arith.addf %div3A_11, %add3A_12 : vector<1x32xf32>
    %rsqrt3A = math.rsqrt %add3A_13 : vector<1x32xf32>
    %mul3A_14 = vector.broadcast %rsqrt3A : vector<1x32xf32> to vector<10000x32xf32>
    %mul3A_15 = arith.mulf %sub3A_5, %mul3A_14 : vector<10000x32xf32>
    %swap3A = arith.constant 0 : index
    %swap3A_16 = arith.constant 0 : index
    %swap3A_17 = vector.load %arg1[%swap3A, %swap3A_16] : memref<10000x32xf32, #tpu.memory_space<vmem>>, vector<10000x32xf32>
    tpu.vector_store %arg1[%swap3A, %swap3A_16], %mul3A_15 {strides = array<i32>} : memref<10000x32xf32, #tpu.memory_space<vmem>>, vector<10000x32xf32>,
    return
  }
}

module attributes {stable_mosaic.version = 14 : i64} {
  func.func @_mlp_body(%arg0: i32, %arg1: memref<400x128xf32, #tpu.memory_space<vmem>>, %arg2: memref<800x128xf32, #tpu.memory_space<vmem>>, %arg3: memref<128x256xbf16, #tpu.memory_space<vmem>>, %arg4: memref<1x256xf32, #tpu.memory_space<vmem>>, %arg5: memref<256x256xbf16, #tpu.memory_space<vmem>>, %arg6: memref<1x256xf32, #tpu.memory_space<vmem>>, %arg7: memref<256x8192xbf16, #tpu.memory_space<vmem>>, %arg8: memref<1x8192xf32, #tpu.memory_space<vmem>>, %arg9: memref<256x8192xbf16, #tpu.memory_space<vmem>>, %arg10: memref<800x128xf32, #tpu.memory_space<vmem>>) attributes {dimension_semantics = [#tpu.dimension_semantics<arbitrary>], iteration_bounds = array<i64: 50>, scalar_prefetch = 0 : i64, scratch_operands = 0 : i64, tpu.core_type = #tpu.core_type<tc>, window_params = [{transform_indices = @transform_0, window_bounds = array<i64: 400, 128>}, {transform_indices = @transform_1, window_bounds = array<i64: 800, 128>}, {pipeline_mode = #tpu.pipeline_mode<synchronous>, transform_indices = @transform_2, window_bounds = array<i64: 128, 256>}, {pipeline_mode = #tpu.pipeline_mode<synchronous>, transform_indices = @transform_3, window_bounds = array<i64: 1, 256>}, {pipeline_mode = #tpu.pipeline_mode<synchronous>, transform_indices = @transform_4, window_bounds = array<i64: 256, 256>}, {pipeline_mode = #tpu.pipeline_mode<synchronous>, transform_indices = @transform_5, window_bounds = array<i64: 1, 256>}, {pipeline_mode = #tpu.pipeline_mode<synchronous>, transform_indices = @transform_6, window_bounds = array<i64: 256, 8192>}, {pipeline_mode = #tpu.pipeline_mode<synchronous>, transform_indices = @transform_7, window_bounds = array<i64: 1, 8192>}, {pipeline_mode = #tpu.pipeline_mode<synchronous>, transform_indices = @transform_8, window_bounds = array<i64: 256, 8192>}, {transform_indices = @transform_9, window_bounds = array<i64: 800, 128>}]} {
    %get3A = arith.constant 0 : index
    %get3A_0 = arith.constant 0 : index
    %get3A_1 = vector.load %arg1[%get3A, %get3A_0] : memref<400x128xf32, #tpu.memory_space<vmem>>, vector<400x128xf32>
    %convert_element_type3A = arith.truncf %get3A_1 : vector<400x128xf32> to vector<400x128xbf16>
    %get3A_2 = arith.constant 0 : index
    %get3A_3 = arith.constant 0 : index
    %get3A_4 = vector.load %arg3[%get3A_2, %get3A_3] : memref<128x256xbf16, #tpu.memory_space<vmem>>, vector<128x256xbf16>
    %dot_general3A = arith.constant dense<0.000000e+00> : vector<400x256xf32>
    %dot_general3A_5 = tpu.matmul %convert_element_type3A, %get3A_4, %dot_general3A {dimension_numbers = #tpu.dot_dimension_numbers<[1], [0], [0], [1], [0, 0, 1, 1], [], []>, transpose_lhs_hint = false} : vector<400x128xbf16>, vector<128x256xbf16>, vector<400x256xf32> -> vector<400x256xf32>
    %get3A_6 = arith.constant 0 : index
    %get3A_7 = arith.constant 0 : index
    %get3A_8 = vector.load %arg4[%get3A_6, %get3A_7] : memref<1x256xf32, #tpu.memory_space<vmem>>, vector<1x256xf32>
    %add3A = vector.broadcast %get3A_8 : vector<1x256xf32> to vector<400x256xf32>
    %add3A_9 = arith.addf %dot_general3A_5, %add3A : vector<400x256xf32>
    %max3A = arith.constant 0.000000e+00 : f32
    %max3A_10 = vector.broadcast %max3A : f32 to vector<400x256xf32>
    %max3A_11 = arith.maximumf %add3A_9, %max3A_10 : vector<400x256xf32>
    %convert_element_type3A_12 = arith.truncf %max3A_11 : vector<400x256xf32> to vector<400x256xbf16>
    %get3A_13 = arith.constant 0 : index
    %get3A_14 = arith.constant 0 : index
    %get3A_15 = vector.load %arg5[%get3A_13, %get3A_14] : memref<256x256xbf16, #tpu.memory_space<vmem>>, vector<256x256xbf16>
    %dot_general3A_16 = arith.constant dense<0.000000e+00> : vector<400x256xf32>
    %dot_general3A_17 = tpu.matmul %convert_element_type3A_12, %get3A_15, %dot_general3A_16 {dimension_numbers = #tpu.dot_dimension_numbers<[1], [0], [0], [1], [0, 0, 1, 1], [], []>, transpose_lhs_hint = false} : vector<400x256xbf16>, vector<256x256xbf16>, vector<400x256xf32> -> vector<400x256xf32>
    %get3A_18 = arith.constant 0 : index
    %get3A_19 = arith.constant 0 : index
    %get3A_20 = vector.load %arg6[%get3A_18, %get3A_19] : memref<1x256xf32, #tpu.memory_space<vmem>>, vector<1x256xf32>
    %add3A_21 = vector.broadcast %get3A_20 : vector<1x256xf32> to vector<400x256xf32>
    %add3A_22 = arith.addf %dot_general3A_17, %add3A_21 : vector<400x256xf32>
    %max3A_23 = arith.constant 0.000000e+00 : f32
    %max3A_24 = vector.broadcast %max3A_23 : f32 to vector<400x256xf32>
    %max3A_25 = arith.maximumf %add3A_22, %max3A_24 : vector<400x256xf32>
    %convert_element_type3A_26 = arith.truncf %max3A_25 : vector<400x256xf32> to vector<400x256xbf16>
    %get3A_27 = arith.constant 0 : index
    %get3A_28 = arith.constant 0 : index
    %get3A_29 = vector.load %arg7[%get3A_27, %get3A_28] : memref<256x8192xbf16, #tpu.memory_space<vmem>>, vector<256x8192xbf16>
    %dot_general3A_30 = arith.constant dense<0.000000e+00> : vector<400x8192xf32>
    %dot_general3A_31 = tpu.matmul %convert_element_type3A_26, %get3A_29, %dot_general3A_30 {dimension_numbers = #tpu.dot_dimension_numbers<[1], [0], [0], [1], [0, 0, 1, 1], [], []>, transpose_lhs_hint = false} : vector<400x256xbf16>, vector<256x8192xbf16>, vector<400x8192xf32> -> vector<400x8192xf32>
    %get3A_32 = arith.constant 0 : index
    %get3A_33 = arith.constant 0 : index
    %get3A_34 = vector.load %arg8[%get3A_32, %get3A_33] : memref<1x8192xf32, #tpu.memory_space<vmem>>, vector<1x8192xf32>
    %add3A_35 = vector.broadcast %get3A_34 : vector<1x8192xf32> to vector<400x8192xf32>
    %add3A_36 = arith.addf %dot_general3A_31, %add3A_35 : vector<400x8192xf32>
    %max3A_37 = arith.constant 0.000000e+00 : f32
    %max3A_38 = vector.broadcast %max3A_37 : f32 to vector<400x8192xf32>
    %max3A_39 = arith.maximumf %add3A_36, %max3A_38 : vector<400x8192xf32>
    %get3A_40 = arith.constant 0 : index
    %get3A_41 = arith.constant 0 : index
    %get3A_42 = vector.load %arg2[%get3A_40, %get3A_41] : memref<800x128xf32, #tpu.memory_space<vmem>>, vector<800x128xf32>
    %reshape3A = vector.shape_cast %get3A_42 : vector<800x128xf32> to vector<400x256xf32>
    %convert_element_type3A_43 = arith.truncf %reshape3A : vector<400x256xf32> to vector<400x256xbf16>
    %get3A_44 = arith.constant 0 : index
    %get3A_45 = arith.constant 0 : index
    %get3A_46 = vector.load %arg9[%get3A_44, %get3A_45] : memref<256x8192xbf16, #tpu.memory_space<vmem>>, vector<256x8192xbf16>
    %dot_general3A_47 = arith.constant dense<0.000000e+00> : vector<400x8192xf32>
    %dot_general3A_48 = tpu.matmul %convert_element_type3A_43, %get3A_46, %dot_general3A_47 {dimension_numbers = #tpu.dot_dimension_numbers<[1], [0], [0], [1], [0, 0, 1, 1], [], []>, transpose_lhs_hint = false} : vector<400x256xbf16>, vector<256x8192xbf16>, vector<400x8192xf32> -> vector<400x8192xf32>
    %mul3A = arith.mulf %dot_general3A_48, %max3A_39 : vector<400x8192xf32>
    %slice3A = vector.extract_strided_slice %mul3A {offsets = [0, 0], sizes = [400, 1024], strides = [1, 1]} : vector<400x8192xf32> to vector<400x1024xf32>
    %slice3A_49 = vector.extract_strided_slice %slice3A {offsets = [0, 0], sizes = [400, 128], strides = [1, 1]} : vector<400x1024xf32> to vector<400x128xf32>
    %slice3A_50 = vector.extract_strided_slice %slice3A {offsets = [0, 128], sizes = [400, 128], strides = [1, 1]} : vector<400x1024xf32> to vector<400x128xf32>
    %add3A_51 = arith.addf %slice3A_49, %slice3A_50 : vector<400x128xf32>
    %slice3A_52 = vector.extract_strided_slice %slice3A {offsets = [0, 256], sizes = [400, 128], strides = [1, 1]} : vector<400x1024xf32> to vector<400x128xf32>
    %add3A_53 = arith.addf %add3A_51, %slice3A_52 : vector<400x128xf32>
    %slice3A_54 = vector.extract_strided_slice %slice3A {offsets = [0, 384], sizes = [400, 128], strides = [1, 1]} : vector<400x1024xf32> to vector<400x128xf32>
    %add3A_55 = arith.addf %add3A_53, %slice3A_54 : vector<400x128xf32>
    %slice3A_56 = vector.extract_strided_slice %slice3A {offsets = [0, 512], sizes = [400, 128], strides = [1, 1]} : vector<400x1024xf32> to vector<400x128xf32>
    %add3A_57 = arith.addf %add3A_55, %slice3A_56 : vector<400x128xf32>
    %slice3A_58 = vector.extract_strided_slice %slice3A {offsets = [0, 640], sizes = [400, 128], strides = [1, 1]} : vector<400x1024xf32> to vector<400x128xf32>
    %add3A_59 = arith.addf %add3A_57, %slice3A_58 : vector<400x128xf32>
    %slice3A_60 = vector.extract_strided_slice %slice3A {offsets = [0, 768], sizes = [400, 128], strides = [1, 1]} : vector<400x1024xf32> to vector<400x128xf32>
    %add3A_61 = arith.addf %add3A_59, %slice3A_60 : vector<400x128xf32>
    %slice3A_62 = vector.extract_strided_slice %slice3A {offsets = [0, 896], sizes = [400, 128], strides = [1, 1]} : vector<400x1024xf32> to vector<400x128xf32>
    %add3A_63 = arith.addf %add3A_61, %slice3A_62 : vector<400x128xf32>
    %slice3A_64 = vector.extract_strided_slice %add3A_63 {offsets = [0, 0], sizes = [400, 32], strides = [1, 1]} : vector<400x128xf32> to vector<400x32xf32>
    %slice3A_65 = vector.extract_strided_slice %add3A_63 {offsets = [0, 32], sizes = [400, 32], strides = [1, 1]} : vector<400x128xf32> to vector<400x32xf32>
    %add3A_66 = arith.addf %slice3A_64, %slice3A_65 : vector<400x32xf32>
    %slice3A_67 = vector.extract_strided_slice %add3A_63 {offsets = [0, 64], sizes = [400, 32], strides = [1, 1]} : vector<400x128xf32> to vector<400x32xf32>
    %slice3A_68 = vector.extract_strided_slice %add3A_63 {offsets = [0, 96], sizes = [400, 32], strides = [1, 1]} : vector<400x128xf32> to vector<400x32xf32>
    %add3A_69 = arith.addf %slice3A_67, %slice3A_68 : vector<400x32xf32>
    %add3A_70 = arith.addf %add3A_66, %add3A_69 : vector<400x32xf32>
    %slice3A_71 = vector.extract_strided_slice %mul3A {offsets = [0, 1024], sizes = [400, 1024], strides = [1, 1]} : vector<400x8192xf32> to vector<400x1024xf32>
    %slice3A_72 = vector.extract_strided_slice %slice3A_71 {offsets = [0, 0], sizes = [400, 128], strides = [1, 1]} : vector<400x1024xf32> to vector<400x128xf32>
    %slice3A_73 = vector.extract_strided_slice %slice3A_71 {offsets = [0, 128], sizes = [400, 128], strides = [1, 1]} : vector<400x1024xf32> to vector<400x128xf32>
    %add3A_74 = arith.addf %slice3A_72, %slice3A_73 : vector<400x128xf32>
    %slice3A_75 = vector.extract_strided_slice %slice3A_71 {offsets = [0, 256], sizes = [400, 128], strides = [1, 1]} : vector<400x1024xf32> to vector<400x128xf32>
    %add3A_76 = arith.addf %add3A_74, %slice3A_75 : vector<400x128xf32>
    %slice3A_77 = vector.extract_strided_slice %slice3A_71 {offsets = [0, 384], sizes = [400, 128], strides = [1, 1]} : vector<400x1024xf32> to vector<400x128xf32>
    %add3A_78 = arith.addf %add3A_76, %slice3A_77 : vector<400x128xf32>
    %slice3A_79 = vector.extract_strided_slice %slice3A_71 {offsets = [0, 512], sizes = [400, 128], strides = [1, 1]} : vector<400x1024xf32> to vector<400x128xf32>
    %add3A_80 = arith.addf %add3A_78, %slice3A_79 : vector<400x128xf32>
    %slice3A_81 = vector.extract_strided_slice %slice3A_71 {offsets = [0, 640], sizes = [400, 128], strides = [1, 1]} : vector<400x1024xf32> to vector<400x128xf32>
    %add3A_82 = arith.addf %add3A_80, %slice3A_81 : vector<400x128xf32>
    %slice3A_83 = vector.extract_strided_slice %slice3A_71 {offsets = [0, 768], sizes = [400, 128], strides = [1, 1]} : vector<400x1024xf32> to vector<400x128xf32>
    %add3A_84 = arith.addf %add3A_82, %slice3A_83 : vector<400x128xf32>
    %slice3A_85 = vector.extract_strided_slice %slice3A_71 {offsets = [0, 896], sizes = [400, 128], strides = [1, 1]} : vector<400x1024xf32> to vector<400x128xf32>
    %add3A_86 = arith.addf %add3A_84, %slice3A_85 : vector<400x128xf32>
    %slice3A_87 = vector.extract_strided_slice %add3A_86 {offsets = [0, 0], sizes = [400, 32], strides = [1, 1]} : vector<400x128xf32> to vector<400x32xf32>
    %slice3A_88 = vector.extract_strided_slice %add3A_86 {offsets = [0, 32], sizes = [400, 32], strides = [1, 1]} : vector<400x128xf32> to vector<400x32xf32>
    %add3A_89 = arith.addf %slice3A_87, %slice3A_88 : vector<400x32xf32>
    %slice3A_90 = vector.extract_strided_slice %add3A_86 {offsets = [0, 64], sizes = [400, 32], strides = [1, 1]} : vector<400x128xf32> to vector<400x32xf32>
    %slice3A_91 = vector.extract_strided_slice %add3A_86 {offsets = [0, 96], sizes = [400, 32], strides = [1, 1]} : vector<400x128xf32> to vector<400x32xf32>
    %add3A_92 = arith.addf %slice3A_90, %slice3A_91 : vector<400x32xf32>
    %add3A_93 = arith.addf %add3A_89, %add3A_92 : vector<400x32xf32>
    %slice3A_94 = vector.extract_strided_slice %mul3A {offsets = [0, 2048], sizes = [400, 1024], strides = [1, 1]} : vector<400x8192xf32> to vector<400x1024xf32>
    %slice3A_95 = vector.extract_strided_slice %slice3A_94 {offsets = [0, 0], sizes = [400, 128], strides = [1, 1]} : vector<400x1024xf32> to vector<400x128xf32>
    %slice3A_96 = vector.extract_strided_slice %slice3A_94 {offsets = [0, 128], sizes = [400, 128], strides = [1, 1]} : vector<400x1024xf32> to vector<400x128xf32>
    %add3A_97 = arith.addf %slice3A_95, %slice3A_96 : vector<400x128xf32>
    %slice3A_98 = vector.extract_strided_slice %slice3A_94 {offsets = [0, 256], sizes = [400, 128], strides = [1, 1]} : vector<400x1024xf32> to vector<400x128xf32>
    %add3A_99 = arith.addf %add3A_97, %slice3A_98 : vector<400x128xf32>
    %slice3A_100 = vector.extract_strided_slice %slice3A_94 {offsets = [0, 384], sizes = [400, 128], strides = [1, 1]} : vector<400x1024xf32> to vector<400x128xf32>
    %add3A_101 = arith.addf %add3A_99, %slice3A_100 : vector<400x128xf32>
    %slice3A_102 = vector.extract_strided_slice %slice3A_94 {offsets = [0, 512], sizes = [400, 128], strides = [1, 1]} : vector<400x1024xf32> to vector<400x128xf32>
    %add3A_103 = arith.addf %add3A_101, %slice3A_102 : vector<400x128xf32>
    %slice3A_104 = vector.extract_strided_slice %slice3A_94 {offsets = [0, 640], sizes = [400, 128], strides = [1, 1]} : vector<400x1024xf32> to vector<400x128xf32>
    %add3A_105 = arith.addf %add3A_103, %slice3A_104 : vector<400x128xf32>
    %slice3A_106 = vector.extract_strided_slice %slice3A_94 {offsets = [0, 768], sizes = [400, 128], strides = [1, 1]} : vector<400x1024xf32> to vector<400x128xf32>
    %add3A_107 = arith.addf %add3A_105, %slice3A_106 : vector<400x128xf32>
    %slice3A_108 = vector.extract_strided_slice %slice3A_94 {offsets = [0, 896], sizes = [400, 128], strides = [1, 1]} : vector<400x1024xf32> to vector<400x128xf32>
    %add3A_109 = arith.addf %add3A_107, %slice3A_108 : vector<400x128xf32>
    %slice3A_110 = vector.extract_strided_slice %add3A_109 {offsets = [0, 0], sizes = [400, 32], strides = [1, 1]} : vector<400x128xf32> to vector<400x32xf32>
    %slice3A_111 = vector.extract_strided_slice %add3A_109 {offsets = [0, 32], sizes = [400, 32], strides = [1, 1]} : vector<400x128xf32> to vector<400x32xf32>
    %add3A_112 = arith.addf %slice3A_110, %slice3A_111 : vector<400x32xf32>
    %slice3A_113 = vector.extract_strided_slice %add3A_109 {offsets = [0, 64], sizes = [400, 32], strides = [1, 1]} : vector<400x128xf32> to vector<400x32xf32>
    %slice3A_114 = vector.extract_strided_slice %add3A_109 {offsets = [0, 96], sizes = [400, 32], strides = [1, 1]} : vector<400x128xf32> to vector<400x32xf32>
    %add3A_115 = arith.addf %slice3A_113, %slice3A_114 : vector<400x32xf32>
    %add3A_116 = arith.addf %add3A_112, %add3A_115 : vector<400x32xf32>
    %slice3A_117 = vector.extract_strided_slice %mul3A {offsets = [0, 3072], sizes = [400, 1024], strides = [1, 1]} : vector<400x8192xf32> to vector<400x1024xf32>
    %slice3A_118 = vector.extract_strided_slice %slice3A_117 {offsets = [0, 0], sizes = [400, 128], strides = [1, 1]} : vector<400x1024xf32> to vector<400x128xf32>
    %slice3A_119 = vector.extract_strided_slice %slice3A_117 {offsets = [0, 128], sizes = [400, 128], strides = [1, 1]} : vector<400x1024xf32> to vector<400x128xf32>
    %add3A_120 = arith.addf %slice3A_118, %slice3A_119 : vector<400x128xf32>
    %slice3A_121 = vector.extract_strided_slice %slice3A_117 {offsets = [0, 256], sizes = [400, 128], strides = [1, 1]} : vector<400x1024xf32> to vector<400x128xf32>
    %add3A_122 = arith.addf %add3A_120, %slice3A_121 : vector<400x128xf32>
    %slice3A_123 = vector.extract_strided_slice %slice3A_117 {offsets = [0, 384], sizes = [400, 128], strides = [1, 1]} : vector<400x1024xf32> to vector<400x128xf32>
    %add3A_124 = arith.addf %add3A_122, %slice3A_123 : vector<400x128xf32>
    %slice3A_125 = vector.extract_strided_slice %slice3A_117 {offsets = [0, 512], sizes = [400, 128], strides = [1, 1]} : vector<400x1024xf32> to vector<400x128xf32>
    %add3A_126 = arith.addf %add3A_124, %slice3A_125 : vector<400x128xf32>
    %slice3A_127 = vector.extract_strided_slice %slice3A_117 {offsets = [0, 640], sizes = [400, 128], strides = [1, 1]} : vector<400x1024xf32> to vector<400x128xf32>
    %add3A_128 = arith.addf %add3A_126, %slice3A_127 : vector<400x128xf32>
    %slice3A_129 = vector.extract_strided_slice %slice3A_117 {offsets = [0, 768], sizes = [400, 128], strides = [1, 1]} : vector<400x1024xf32> to vector<400x128xf32>
    %add3A_130 = arith.addf %add3A_128, %slice3A_129 : vector<400x128xf32>
    %slice3A_131 = vector.extract_strided_slice %slice3A_117 {offsets = [0, 896], sizes = [400, 128], strides = [1, 1]} : vector<400x1024xf32> to vector<400x128xf32>
    %add3A_132 = arith.addf %add3A_130, %slice3A_131 : vector<400x128xf32>
    %slice3A_133 = vector.extract_strided_slice %add3A_132 {offsets = [0, 0], sizes = [400, 32], strides = [1, 1]} : vector<400x128xf32> to vector<400x32xf32>
    %slice3A_134 = vector.extract_strided_slice %add3A_132 {offsets = [0, 32], sizes = [400, 32], strides = [1, 1]} : vector<400x128xf32> to vector<400x32xf32>
    %add3A_135 = arith.addf %slice3A_133, %slice3A_134 : vector<400x32xf32>
    %slice3A_136 = vector.extract_strided_slice %add3A_132 {offsets = [0, 64], sizes = [400, 32], strides = [1, 1]} : vector<400x128xf32> to vector<400x32xf32>
    %slice3A_137 = vector.extract_strided_slice %add3A_132 {offsets = [0, 96], sizes = [400, 32], strides = [1, 1]} : vector<400x128xf32> to vector<400x32xf32>
    %add3A_138 = arith.addf %slice3A_136, %slice3A_137 : vector<400x32xf32>
    %add3A_139 = arith.addf %add3A_135, %add3A_138 : vector<400x32xf32>
    %slice3A_140 = vector.extract_strided_slice %mul3A {offsets = [0, 4096], sizes = [400, 1024], strides = [1, 1]} : vector<400x8192xf32> to vector<400x1024xf32>
    %slice3A_141 = vector.extract_strided_slice %slice3A_140 {offsets = [0, 0], sizes = [400, 128], strides = [1, 1]} : vector<400x1024xf32> to vector<400x128xf32>
    %slice3A_142 = vector.extract_strided_slice %slice3A_140 {offsets = [0, 128], sizes = [400, 128], strides = [1, 1]} : vector<400x1024xf32> to vector<400x128xf32>
    %add3A_143 = arith.addf %slice3A_141, %slice3A_142 : vector<400x128xf32>
    %slice3A_144 = vector.extract_strided_slice %slice3A_140 {offsets = [0, 256], sizes = [400, 128], strides = [1, 1]} : vector<400x1024xf32> to vector<400x128xf32>
    %add3A_145 = arith.addf %add3A_143, %slice3A_144 : vector<400x128xf32>
    %slice3A_146 = vector.extract_strided_slice %slice3A_140 {offsets = [0, 384], sizes = [400, 128], strides = [1, 1]} : vector<400x1024xf32> to vector<400x128xf32>
    %add3A_147 = arith.addf %add3A_145, %slice3A_146 : vector<400x128xf32>
    %slice3A_148 = vector.extract_strided_slice %slice3A_140 {offsets = [0, 512], sizes = [400, 128], strides = [1, 1]} : vector<400x1024xf32> to vector<400x128xf32>
    %add3A_149 = arith.addf %add3A_147, %slice3A_148 : vector<400x128xf32>
    %slice3A_150 = vector.extract_strided_slice %slice3A_140 {offsets = [0, 640], sizes = [400, 128], strides = [1, 1]} : vector<400x1024xf32> to vector<400x128xf32>
    %add3A_151 = arith.addf %add3A_149, %slice3A_150 : vector<400x128xf32>
    %slice3A_152 = vector.extract_strided_slice %slice3A_140 {offsets = [0, 768], sizes = [400, 128], strides = [1, 1]} : vector<400x1024xf32> to vector<400x128xf32>
    %add3A_153 = arith.addf %add3A_151, %slice3A_152 : vector<400x128xf32>
    %slice3A_154 = vector.extract_strided_slice %slice3A_140 {offsets = [0, 896], sizes = [400, 128], strides = [1, 1]} : vector<400x1024xf32> to vector<400x128xf32>
    %add3A_155 = arith.addf %add3A_153, %slice3A_154 : vector<400x128xf32>
    %slice3A_156 = vector.extract_strided_slice %add3A_155 {offsets = [0, 0], sizes = [400, 32], strides = [1, 1]} : vector<400x128xf32> to vector<400x32xf32>
    %slice3A_157 = vector.extract_strided_slice %add3A_155 {offsets = [0, 32], sizes = [400, 32], strides = [1, 1]} : vector<400x128xf32> to vector<400x32xf32>
    %add3A_158 = arith.addf %slice3A_156, %slice3A_157 : vector<400x32xf32>
    %slice3A_159 = vector.extract_strided_slice %add3A_155 {offsets = [0, 64], sizes = [400, 32], strides = [1, 1]} : vector<400x128xf32> to vector<400x32xf32>
    %slice3A_160 = vector.extract_strided_slice %add3A_155 {offsets = [0, 96], sizes = [400, 32], strides = [1, 1]} : vector<400x128xf32> to vector<400x32xf32>
    %add3A_161 = arith.addf %slice3A_159, %slice3A_160 : vector<400x32xf32>
    %add3A_162 = arith.addf %add3A_158, %add3A_161 : vector<400x32xf32>
    %slice3A_163 = vector.extract_strided_slice %mul3A {offsets = [0, 5120], sizes = [400, 1024], strides = [1, 1]} : vector<400x8192xf32> to vector<400x1024xf32>
    %slice3A_164 = vector.extract_strided_slice %slice3A_163 {offsets = [0, 0], sizes = [400, 128], strides = [1, 1]} : vector<400x1024xf32> to vector<400x128xf32>
    %slice3A_165 = vector.extract_strided_slice %slice3A_163 {offsets = [0, 128], sizes = [400, 128], strides = [1, 1]} : vector<400x1024xf32> to vector<400x128xf32>
    %add3A_166 = arith.addf %slice3A_164, %slice3A_165 : vector<400x128xf32>
    %slice3A_167 = vector.extract_strided_slice %slice3A_163 {offsets = [0, 256], sizes = [400, 128], strides = [1, 1]} : vector<400x1024xf32> to vector<400x128xf32>
    %add3A_168 = arith.addf %add3A_166, %slice3A_167 : vector<400x128xf32>
    %slice3A_169 = vector.extract_strided_slice %slice3A_163 {offsets = [0, 384], sizes = [400, 128], strides = [1, 1]} : vector<400x1024xf32> to vector<400x128xf32>
    %add3A_170 = arith.addf %add3A_168, %slice3A_169 : vector<400x128xf32>
    %slice3A_171 = vector.extract_strided_slice %slice3A_163 {offsets = [0, 512], sizes = [400, 128], strides = [1, 1]} : vector<400x1024xf32> to vector<400x128xf32>
    %add3A_172 = arith.addf %add3A_170, %slice3A_171 : vector<400x128xf32>
    %slice3A_173 = vector.extract_strided_slice %slice3A_163 {offsets = [0, 640], sizes = [400, 128], strides = [1, 1]} : vector<400x1024xf32> to vector<400x128xf32>
    %add3A_174 = arith.addf %add3A_172, %slice3A_173 : vector<400x128xf32>
    %slice3A_175 = vector.extract_strided_slice %slice3A_163 {offsets = [0, 768], sizes = [400, 128], strides = [1, 1]} : vector<400x1024xf32> to vector<400x128xf32>
    %add3A_176 = arith.addf %add3A_174, %slice3A_175 : vector<400x128xf32>
    %slice3A_177 = vector.extract_strided_slice %slice3A_163 {offsets = [0, 896], sizes = [400, 128], strides = [1, 1]} : vector<400x1024xf32> to vector<400x128xf32>
    %add3A_178 = arith.addf %add3A_176, %slice3A_177 : vector<400x128xf32>
    %slice3A_179 = vector.extract_strided_slice %add3A_178 {offsets = [0, 0], sizes = [400, 32], strides = [1, 1]} : vector<400x128xf32> to vector<400x32xf32>
    %slice3A_180 = vector.extract_strided_slice %add3A_178 {offsets = [0, 32], sizes = [400, 32], strides = [1, 1]} : vector<400x128xf32> to vector<400x32xf32>
    %add3A_181 = arith.addf %slice3A_179, %slice3A_180 : vector<400x32xf32>
    %slice3A_182 = vector.extract_strided_slice %add3A_178 {offsets = [0, 64], sizes = [400, 32], strides = [1, 1]} : vector<400x128xf32> to vector<400x32xf32>
    %slice3A_183 = vector.extract_strided_slice %add3A_178 {offsets = [0, 96], sizes = [400, 32], strides = [1, 1]} : vector<400x128xf32> to vector<400x32xf32>
    %add3A_184 = arith.addf %slice3A_182, %slice3A_183 : vector<400x32xf32>
    %add3A_185 = arith.addf %add3A_181, %add3A_184 : vector<400x32xf32>
    %slice3A_186 = vector.extract_strided_slice %mul3A {offsets = [0, 6144], sizes = [400, 1024], strides = [1, 1]} : vector<400x8192xf32> to vector<400x1024xf32>
    %slice3A_187 = vector.extract_strided_slice %slice3A_186 {offsets = [0, 0], sizes = [400, 128], strides = [1, 1]} : vector<400x1024xf32> to vector<400x128xf32>
    %slice3A_188 = vector.extract_strided_slice %slice3A_186 {offsets = [0, 128], sizes = [400, 128], strides = [1, 1]} : vector<400x1024xf32> to vector<400x128xf32>
    %add3A_189 = arith.addf %slice3A_187, %slice3A_188 : vector<400x128xf32>
    %slice3A_190 = vector.extract_strided_slice %slice3A_186 {offsets = [0, 256], sizes = [400, 128], strides = [1, 1]} : vector<400x1024xf32> to vector<400x128xf32>
    %add3A_191 = arith.addf %add3A_189, %slice3A_190 : vector<400x128xf32>
    %slice3A_192 = vector.extract_strided_slice %slice3A_186 {offsets = [0, 384], sizes = [400, 128], strides = [1, 1]} : vector<400x1024xf32> to vector<400x128xf32>
    %add3A_193 = arith.addf %add3A_191, %slice3A_192 : vector<400x128xf32>
    %slice3A_194 = vector.extract_strided_slice %slice3A_186 {offsets = [0, 512], sizes = [400, 128], strides = [1, 1]} : vector<400x1024xf32> to vector<400x128xf32>
    %add3A_195 = arith.addf %add3A_193, %slice3A_194 : vector<400x128xf32>
    %slice3A_196 = vector.extract_strided_slice %slice3A_186 {offsets = [0, 640], sizes = [400, 128], strides = [1, 1]} : vector<400x1024xf32> to vector<400x128xf32>
    %add3A_197 = arith.addf %add3A_195, %slice3A_196 : vector<400x128xf32>
    %slice3A_198 = vector.extract_strided_slice %slice3A_186 {offsets = [0, 768], sizes = [400, 128], strides = [1, 1]} : vector<400x1024xf32> to vector<400x128xf32>
    %add3A_199 = arith.addf %add3A_197, %slice3A_198 : vector<400x128xf32>
    %slice3A_200 = vector.extract_strided_slice %slice3A_186 {offsets = [0, 896], sizes = [400, 128], strides = [1, 1]} : vector<400x1024xf32> to vector<400x128xf32>
    %add3A_201 = arith.addf %add3A_199, %slice3A_200 : vector<400x128xf32>
    %slice3A_202 = vector.extract_strided_slice %add3A_201 {offsets = [0, 0], sizes = [400, 32], strides = [1, 1]} : vector<400x128xf32> to vector<400x32xf32>
    %slice3A_203 = vector.extract_strided_slice %add3A_201 {offsets = [0, 32], sizes = [400, 32], strides = [1, 1]} : vector<400x128xf32> to vector<400x32xf32>
    %add3A_204 = arith.addf %slice3A_202, %slice3A_203 : vector<400x32xf32>
    %slice3A_205 = vector.extract_strided_slice %add3A_201 {offsets = [0, 64], sizes = [400, 32], strides = [1, 1]} : vector<400x128xf32> to vector<400x32xf32>
    %slice3A_206 = vector.extract_strided_slice %add3A_201 {offsets = [0, 96], sizes = [400, 32], strides = [1, 1]} : vector<400x128xf32> to vector<400x32xf32>
    %add3A_207 = arith.addf %slice3A_205, %slice3A_206 : vector<400x32xf32>
    %add3A_208 = arith.addf %add3A_204, %add3A_207 : vector<400x32xf32>
    %slice3A_209 = vector.extract_strided_slice %mul3A {offsets = [0, 7168], sizes = [400, 1024], strides = [1, 1]} : vector<400x8192xf32> to vector<400x1024xf32>
    %slice3A_210 = vector.extract_strided_slice %slice3A_209 {offsets = [0, 0], sizes = [400, 128], strides = [1, 1]} : vector<400x1024xf32> to vector<400x128xf32>
    %slice3A_211 = vector.extract_strided_slice %slice3A_209 {offsets = [0, 128], sizes = [400, 128], strides = [1, 1]} : vector<400x1024xf32> to vector<400x128xf32>
    %add3A_212 = arith.addf %slice3A_210, %slice3A_211 : vector<400x128xf32>
    %slice3A_213 = vector.extract_strided_slice %slice3A_209 {offsets = [0, 256], sizes = [400, 128], strides = [1, 1]} : vector<400x1024xf32> to vector<400x128xf32>
    %add3A_214 = arith.addf %add3A_212, %slice3A_213 : vector<400x128xf32>
    %slice3A_215 = vector.extract_strided_slice %slice3A_209 {offsets = [0, 384], sizes = [400, 128], strides = [1, 1]} : vector<400x1024xf32> to vector<400x128xf32>
    %add3A_216 = arith.addf %add3A_214, %slice3A_215 : vector<400x128xf32>
    %slice3A_217 = vector.extract_strided_slice %slice3A_209 {offsets = [0, 512], sizes = [400, 128], strides = [1, 1]} : vector<400x1024xf32> to vector<400x128xf32>
    %add3A_218 = arith.addf %add3A_216, %slice3A_217 : vector<400x128xf32>
    %slice3A_219 = vector.extract_strided_slice %slice3A_209 {offsets = [0, 640], sizes = [400, 128], strides = [1, 1]} : vector<400x1024xf32> to vector<400x128xf32>
    %add3A_220 = arith.addf %add3A_218, %slice3A_219 : vector<400x128xf32>
    %slice3A_221 = vector.extract_strided_slice %slice3A_209 {offsets = [0, 768], sizes = [400, 128], strides = [1, 1]} : vector<400x1024xf32> to vector<400x128xf32>
    %add3A_222 = arith.addf %add3A_220, %slice3A_221 : vector<400x128xf32>
    %slice3A_223 = vector.extract_strided_slice %slice3A_209 {offsets = [0, 896], sizes = [400, 128], strides = [1, 1]} : vector<400x1024xf32> to vector<400x128xf32>
    %add3A_224 = arith.addf %add3A_222, %slice3A_223 : vector<400x128xf32>
    %slice3A_225 = vector.extract_strided_slice %add3A_224 {offsets = [0, 0], sizes = [400, 32], strides = [1, 1]} : vector<400x128xf32> to vector<400x32xf32>
    %slice3A_226 = vector.extract_strided_slice %add3A_224 {offsets = [0, 32], sizes = [400, 32], strides = [1, 1]} : vector<400x128xf32> to vector<400x32xf32>
    %add3A_227 = arith.addf %slice3A_225, %slice3A_226 : vector<400x32xf32>
    %slice3A_228 = vector.extract_strided_slice %add3A_224 {offsets = [0, 64], sizes = [400, 32], strides = [1, 1]} : vector<400x128xf32> to vector<400x32xf32>
    %slice3A_229 = vector.extract_strided_slice %add3A_224 {offsets = [0, 96], sizes = [400, 32], strides = [1, 1]} : vector<400x128xf32> to vector<400x32xf32>
    %add3A_230 = arith.addf %slice3A_228, %slice3A_229 : vector<400x32xf32>
    %add3A_231 = arith.addf %add3A_227, %add3A_230 : vector<400x32xf32>
    %concatenate3A = tpu.concatenate %add3A_70, %add3A_93, %add3A_116, %add3A_139, %add3A_162, %add3A_185, %add3A_208, %add3A_231 in 1 : vector<400x32xf32>, vector<400x32xf32>, vector<400x32xf32>, vector<400x32xf32>, vector<400x32xf32>, vector<400x32xf32>, vector<400x32xf32>, vector<400x32xf32> -> vector<400x256xf32>
    %reshape3A_232 = vector.shape_cast %concatenate3A : vector<400x256xf32> to vector<800x128xf32>
    %swap3A = arith.constant 0 : index
    %swap3A_233 = arith.constant 0 : index
    %swap3A_234 = vector.load %arg10[%swap3A, %swap3A_233] : memref<800x128xf32, #tpu.memory_space<vmem>>, vector<800x128xf32>
    tpu.vector_store %arg10[%swap3A, %swap3A_233], %reshape3A_232 {strides = array<i32>} : memref<800x128xf32, #tpu.memory_space<vmem>>, vector<800x128xf32>,
    return
  }
  func.func @transform_0(%arg0: i32) -> (i32, i32) {
    %c0_i32 = arith.constant 0 : i32
    %c0_i32_0 = arith.constant 0 : i32
    return %arg0, %c0_i32 : i32, i32
  }
  func.func @transform_1(%arg0: i32) -> (i32, i32) {
    %c0_i32 = arith.constant 0 : i32
    %c0_i32_0 = arith.constant 0 : i32
    return %arg0, %c0_i32 : i32, i32
  }
  func.func @transform_2(%arg0: i32) -> (i32, i32) {
    %c0_i32 = arith.constant 0 : i32
    %c0_i32_0 = arith.constant 0 : i32
    %c0_i32_1 = arith.constant 0 : i32
    return %c0_i32, %c0_i32_0 : i32, i32
  }
  func.func @transform_3(%arg0: i32) -> (i32, i32) {
    %c0_i32 = arith.constant 0 : i32
    %c0_i32_0 = arith.constant 0 : i32
    %c0_i32_1 = arith.constant 0 : i32
    return %c0_i32, %c0_i32_0 : i32, i32
  }
  func.func @transform_4(%arg0: i32) -> (i32, i32) {
    %c0_i32 = arith.constant 0 : i32
    %c0_i32_0 = arith.constant 0 : i32
    %c0_i32_1 = arith.constant 0 : i32
    return %c0_i32, %c0_i32_0 : i32, i32
  }
  func.func @transform_5(%arg0: i32) -> (i32, i32) {
    %c0_i32 = arith.constant 0 : i32
    %c0_i32_0 = arith.constant 0 : i32
    %c0_i32_1 = arith.constant 0 : i32
    return %c0_i32, %c0_i32_0 : i32, i32
  }
  func.func @transform_6(%arg0: i32) -> (i32, i32) {
    %c0_i32 = arith.constant 0 : i32
    %c0_i32_0 = arith.constant 0 : i32
    %c0_i32_1 = arith.constant 0 : i32
    return %c0_i32, %c0_i32_0 : i32, i32
  }
  func.func @transform_7(%arg0: i32) -> (i32, i32) {
    %c0_i32 = arith.constant 0 : i32
    %c0_i32_0 = arith.constant 0 : i32
    %c0_i32_1 = arith.constant 0 : i32
    return %c0_i32, %c0_i32_0 : i32, i32
  }
  func.func @transform_8(%arg0: i32) -> (i32, i32) {
    %c0_i32 = arith.constant 0 : i32
    %c0_i32_0 = arith.constant 0 : i32
    %c0_i32_1 = arith.constant 0 : i32
    return %c0_i32, %c0_i32_0 : i32, i32
  }
  func.func @transform_9(%arg0: i32) -> (i32, i32) {
    %c0_i32 = arith.constant 0 : i32
    %c0_i32_0 = arith.constant 0 : i32
    return %arg0, %c0_i32 : i32, i32
  }
}

module attributes {stable_mosaic.version = 14 : i64} {
  func.func @_final_body(%arg0: i32, %arg1: memref<2000x32xf32, #tpu.memory_space<vmem>>, %arg2: memref<2000x32xf32, #tpu.memory_space<vmem>>, %arg3: memref<2000x32xf32, #tpu.memory_space<vmem>>, %arg4: memref<32x32xf32, #tpu.memory_space<vmem>>, %arg5: memref<1x32xf32, #tpu.memory_space<vmem>>, %arg6: memref<32x32xf32, #tpu.memory_space<vmem>>, %arg7: memref<1x32xf32, #tpu.memory_space<vmem>>, %arg8: memref<32x32xf32, #tpu.memory_space<vmem>>, %arg9: memref<1x32xf32, #tpu.memory_space<vmem>>, %arg10: memref<2000x32xf32, #tpu.memory_space<vmem>>) attributes {dimension_semantics = [#tpu.dimension_semantics<arbitrary>], iteration_bounds = array<i64: 5>, scalar_prefetch = 0 : i64, scratch_operands = 0 : i64, tpu.core_type = #tpu.core_type<tc>, window_params = [{transform_indices = @transform_0, window_bounds = array<i64: 2000, 32>}, {transform_indices = @transform_1, window_bounds = array<i64: 2000, 32>}, {transform_indices = @transform_2, window_bounds = array<i64: 2000, 32>}, {pipeline_mode = #tpu.pipeline_mode<synchronous>, transform_indices = @transform_3, window_bounds = array<i64: 32, 32>}, {pipeline_mode = #tpu.pipeline_mode<synchronous>, transform_indices = @transform_4, window_bounds = array<i64: 1, 32>}, {pipeline_mode = #tpu.pipeline_mode<synchronous>, transform_indices = @transform_5, window_bounds = array<i64: 32, 32>}, {pipeline_mode = #tpu.pipeline_mode<synchronous>, transform_indices = @transform_6, window_bounds = array<i64: 1, 32>}, {pipeline_mode = #tpu.pipeline_mode<synchronous>, transform_indices = @transform_7, window_bounds = array<i64: 32, 32>}, {pipeline_mode = #tpu.pipeline_mode<synchronous>, transform_indices = @transform_8, window_bounds = array<i64: 1, 32>}, {transform_indices = @transform_9, window_bounds = array<i64: 2000, 32>}]} {
    %get3A = arith.constant 0 : index
    %get3A_0 = arith.constant 0 : index
    %get3A_1 = vector.load %arg1[%get3A, %get3A_0] : memref<2000x32xf32, #tpu.memory_space<vmem>>, vector<2000x32xf32>
    %get3A_2 = arith.constant 0 : index
    %get3A_3 = arith.constant 0 : index
    %get3A_4 = vector.load %arg2[%get3A_2, %get3A_3] : memref<2000x32xf32, #tpu.memory_space<vmem>>, vector<2000x32xf32>
    %add3A = arith.addf %get3A_1, %get3A_4 : vector<2000x32xf32>
    %get3A_5 = arith.constant 0 : index
    %get3A_6 = arith.constant 0 : index
    %get3A_7 = vector.load %arg3[%get3A_5, %get3A_6] : memref<2000x32xf32, #tpu.memory_space<vmem>>, vector<2000x32xf32>
    %get3A_8 = arith.constant 0 : index
    %get3A_9 = arith.constant 0 : index
    %get3A_10 = vector.load %arg4[%get3A_8, %get3A_9] : memref<32x32xf32, #tpu.memory_space<vmem>>, vector<32x32xf32>
    %dot_general3A = arith.constant dense<0.000000e+00> : vector<2000x32xf32>
    %dot_general3A_11 = tpu.matmul %get3A_7, %get3A_10, %dot_general3A {dimension_numbers = #tpu.dot_dimension_numbers<[1], [0], [0], [1], [0, 0, 1, 1], [], []>, transpose_lhs_hint = false} : vector<2000x32xf32>, vector<32x32xf32>, vector<2000x32xf32> -> vector<2000x32xf32>
    %add3A_12 = arith.addf %add3A, %dot_general3A_11 : vector<2000x32xf32>
    %get3A_13 = arith.constant 0 : index
    %get3A_14 = arith.constant 0 : index
    %get3A_15 = vector.load %arg5[%get3A_13, %get3A_14] : memref<1x32xf32, #tpu.memory_space<vmem>>, vector<1x32xf32>
    %add3A_16 = vector.broadcast %get3A_15 : vector<1x32xf32> to vector<2000x32xf32>
    %add3A_17 = arith.addf %add3A_12, %add3A_16 : vector<2000x32xf32>
    %max3A = arith.constant 0.000000e+00 : f32
    %max3A_18 = vector.broadcast %max3A : f32 to vector<2000x32xf32>
    %max3A_19 = arith.maximumf %add3A_17, %max3A_18 : vector<2000x32xf32>
    %get3A_20 = arith.constant 0 : index
    %get3A_21 = arith.constant 0 : index
    %get3A_22 = vector.load %arg6[%get3A_20, %get3A_21] : memref<32x32xf32, #tpu.memory_space<vmem>>, vector<32x32xf32>
    %dot_general3A_23 = arith.constant dense<0.000000e+00> : vector<2000x32xf32>
    %dot_general3A_24 = tpu.matmul %max3A_19, %get3A_22, %dot_general3A_23 {dimension_numbers = #tpu.dot_dimension_numbers<[1], [0], [0], [1], [0, 0, 1, 1], [], []>, transpose_lhs_hint = false} : vector<2000x32xf32>, vector<32x32xf32>, vector<2000x32xf32> -> vector<2000x32xf32>
    %get3A_25 = arith.constant 0 : index
    %get3A_26 = arith.constant 0 : index
    %get3A_27 = vector.load %arg7[%get3A_25, %get3A_26] : memref<1x32xf32, #tpu.memory_space<vmem>>, vector<1x32xf32>
    %add3A_28 = vector.broadcast %get3A_27 : vector<1x32xf32> to vector<2000x32xf32>
    %add3A_29 = arith.addf %dot_general3A_24, %add3A_28 : vector<2000x32xf32>
    %max3A_30 = arith.constant 0.000000e+00 : f32
    %max3A_31 = vector.broadcast %max3A_30 : f32 to vector<2000x32xf32>
    %max3A_32 = arith.maximumf %add3A_29, %max3A_31 : vector<2000x32xf32>
    %get3A_33 = arith.constant 0 : index
    %get3A_34 = arith.constant 0 : index
    %get3A_35 = vector.load %arg8[%get3A_33, %get3A_34] : memref<32x32xf32, #tpu.memory_space<vmem>>, vector<32x32xf32>
    %dot_general3A_36 = arith.constant dense<0.000000e+00> : vector<2000x32xf32>
    %dot_general3A_37 = tpu.matmul %max3A_32, %get3A_35, %dot_general3A_36 {dimension_numbers = #tpu.dot_dimension_numbers<[1], [0], [0], [1], [0, 0, 1, 1], [], []>, transpose_lhs_hint = false} : vector<2000x32xf32>, vector<32x32xf32>, vector<2000x32xf32> -> vector<2000x32xf32>
    %get3A_38 = arith.constant 0 : index
    %get3A_39 = arith.constant 0 : index
    %get3A_40 = vector.load %arg9[%get3A_38, %get3A_39] : memref<1x32xf32, #tpu.memory_space<vmem>>, vector<1x32xf32>
    %add3A_41 = vector.broadcast %get3A_40 : vector<1x32xf32> to vector<2000x32xf32>
    %add3A_42 = arith.addf %dot_general3A_37, %add3A_41 : vector<2000x32xf32>
    %swap3A = arith.constant 0 : index
    %swap3A_43 = arith.constant 0 : index
    %swap3A_44 = vector.load %arg10[%swap3A, %swap3A_43] : memref<2000x32xf32, #tpu.memory_space<vmem>>, vector<2000x32xf32>
    tpu.vector_store %arg10[%swap3A, %swap3A_43], %add3A_42 {strides = array<i32>} : memref<2000x32xf32, #tpu.memory_space<vmem>>, vector<2000x32xf32>,
    return
  }
  func.func @transform_0(%arg0: i32) -> (i32, i32) {
    %c0_i32 = arith.constant 0 : i32
    %c0_i32_0 = arith.constant 0 : i32
    return %arg0, %c0_i32 : i32, i32
  }
  func.func @transform_1(%arg0: i32) -> (i32, i32) {
    %c0_i32 = arith.constant 0 : i32
    %c0_i32_0 = arith.constant 0 : i32
    return %arg0, %c0_i32 : i32, i32
  }
  func.func @transform_2(%arg0: i32) -> (i32, i32) {
    %c0_i32 = arith.constant 0 : i32
    %c0_i32_0 = arith.constant 0 : i32
    return %arg0, %c0_i32 : i32, i32
  }
  func.func @transform_3(%arg0: i32) -> (i32, i32) {
    %c0_i32 = arith.constant 0 : i32
    %c0_i32_0 = arith.constant 0 : i32
    %c0_i32_1 = arith.constant 0 : i32
    return %c0_i32, %c0_i32_0 : i32, i32
  }
  func.func @transform_4(%arg0: i32) -> (i32, i32) {
    %c0_i32 = arith.constant 0 : i32
    %c0_i32_0 = arith.constant 0 : i32
    %c0_i32_1 = arith.constant 0 : i32
    return %c0_i32, %c0_i32_0 : i32, i32
  }
  func.func @transform_5(%arg0: i32) -> (i32, i32) {
    %c0_i32 = arith.constant 0 : i32
    %c0_i32_0 = arith.constant 0 : i32
    %c0_i32_1 = arith.constant 0 : i32
    return %c0_i32, %c0_i32_0 : i32, i32
  }
  func.func @transform_6(%arg0: i32) -> (i32, i32) {
    %c0_i32 = arith.constant 0 : i32
    %c0_i32_0 = arith.constant 0 : i32
    %c0_i32_1 = arith.constant 0 : i32
    return %c0_i32, %c0_i32_0 : i32, i32
  }
  func.func @transform_7(%arg0: i32) -> (i32, i32) {
    %c0_i32 = arith.constant 0 : i32
    %c0_i32_0 = arith.constant 0 : i32
    %c0_i32_1 = arith.constant 0 : i32
    return %c0_i32, %c0_i32_0 : i32, i32
  }
  func.func @transform_8(%arg0: i32) -> (i32, i32) {
    %c0_i32 = arith.constant 0 : i32
    %c0_i32_0 = arith.constant 0 : i32
    %c0_i32_1 = arith.constant 0 : i32
    return %c0_i32, %c0_i32_0 : i32, i32
  }
  func.func @transform_9(%arg0: i32) -> (i32, i32) {
    %c0_i32 = arith.constant 0 : i32
    %c0_i32_0 = arith.constant 0 : i32
    return %arg0, %c0_i32 : i32, i32
  }
}

</mosaic_0001>

<sc_bundles>
// kernel: kernel.10.cloned.1.call-start
scs
__scs_entry_jumppad:
0x0: {  	(pc) =	sbr.rel $0x88, $3  }
0x1: {  	(tag) =	ssettag $0x0;
	lr =	simm.s32 $0x1  }
0x2: {  	[smem:$0x3F92] =	sst lr;
	_ =	strace $0xD0000000  }
0x3: {  	_ = 	snop  }
0x4: {  	_ = 	snop  }
0x5: {  	_ = 	snop  }
0x6: {  	_ = 	snop  }
0x7: {  	_ = 	snop  }
__scs_overlays_trampoline_lowered:
0x8: {  	[smem:$0x3FA1] =	sst s0  }
0x9: {  	[smem:$0x3FA2] =	sst s1  }
0xa: {  	[smem:$0x3FA3] =	sst s2  }
0xb: {  	[smem:$0x3FA4] =	sst s3  }
0xc: {  	[smem:$0x3FA5] =	sst s4  }
0xd: {  	[smem:$0x3FA6] =	sst s5  }
0xe: {  	[smem:$0x3FA7] =	sst s6  }
0xf: {  	[smem:$0x3FA8] =	sst s7  }
0x10: {  	[smem:$0x3FA9] =	sst s8  }
0x11: {  	[smem:$0x3FAA] =	sst s9;
	s0 =	simm.s32 @!p0 $0x0  }
0x12: {  	s1 =	sld [smem:$0x3F90];
	s0 =	simm.s32 @p0 $0x1  }
0x13: {  	[smem:$0x3FAB] =	sst s0;
	s0 =	simm.s32 @!p1 $0x0  }
0x14: {  	s2 =	sld [smem:$0x3F8F];
	s0 =	simm.s32 @p1 $0x1  }
0x15: {  	[smem:$0x3FAC] =	sst s0;
	s0 =	simm.s32 @!p2 $0x0  }
0x16: {  	s3 =	sld [smem:$0x3FDB];
	s0 =	simm.s32 @p2 $0x1  }
0x17: {  	s4 =	simm.s32 $0x1BF5;
	[smem:$0x3FAE] =	sst s0  }
0x18: {  	s0 =	sld [smem:$0x3F91];
	_ =	swait.ge [sflag:s4], $0x0  }
0x19: {  	s7 =	sld [smem:$0x3F92]  }
0x1a: {  	s8 =	sadd.s32 $0xFFFFE003, lr  }
0x1b: {  	s9 =	sadd.s32 $0xFFFFFEF7, lr;
	s5 =	simm.s32 $0xFFFFFFFF;
	p2 =	slt.u32 s8, $0xFFFFF086  }
0x1c: {  	p1 =	slt.u32 s9, $0xF7A;
	s5 =	simm.s32 @!p2 $0x0  }
0x1d: {  	s5 =	simm.s32 @p1 $0x1;
	p0 =	seq.s32 s7, s2  }
0x1e: {  	s7 =	smul.u32 @!p0 $0xF7A, s2;
	p2 =	seq.s32 @!p0 s5, $0x0  }
0x1f: {  	s9 =	smul.u32 $0xF7A, s1;
	s8 =	simm.s32 @!p0 $0x1BF5;
	p2 =	por !p2, p0  }
0x20: {  	[sflag:s8] =	ssyncset.s32 @!p0 $0xFFFFF086;
	s6 =	sadd.s32 @!p0 s3, s7;
	s7 =	simm.s32 @!p0 $0x108  }
0x21: {  	s3 =	sadd.s32 s3, s9;
	s6 =	sadd.s32 @!p0 $0x88, s6;
	s7 =	simm.s32 @p2 $0x1082  }
0x22: {  	[simem:s7], [sflag:s8] =	dma.local @!p0 [hbm:s6], $0xF7A  }
0x23: {  	s9 =	sor.u32 $0xD0000000, s2;
	s6 =	simm.s32 $0x108;
	_ =	swait.ge @!p0 [sflag:s8], $0x0  }
0x24: {  	s3 =	sadd.s32 $0x88, s3;
	s6 =	simm.s32 @!p1 $0x1082;
	[sflag:s4] =	ssyncset.s32 $0xFFFFF086  }
0x25: {  	[simem:s6], [sflag:s4] =	dma.local [hbm:s3], $0xF7A  }
0x26: {  	[smem:$0x3F92] =	sst s1;
	(tag) =	ssettag s2;
	_ =	strace s9  }
0x27: {  	s1 =	sld [smem:$0x3FA2]  }
0x28: {  	s2 =	sld [smem:$0x3FA3]  }
0x29: {  	s4 =	sld [smem:$0x3FA5]  }
0x2a: {  	p0 =	seq.s32 s5, $0x0;
	s5 =	sld [smem:$0x3FA6]  }
0x2b: {  	s6 =	sld [smem:$0x3FA7]  }
0x2c: {  	s7 =	sld [smem:$0x3FA8]  }
0x2d: {  	s3 =	simm.s32 $0x108;
	s8 =	sld [smem:$0x3FA9]  }
0x2e: {  	s3 =	simm.s32 @!p0 $0x1082;
	s9 =	sld [smem:$0x3FAA]  }
0x2f: {  	lr =	sadd.s32 s0, s3;
	s0 =	sld [smem:$0x3FA1]  }
0x30: {  	s3 =	sld [smem:$0x3FA4]  }
0x31: {  	[smem:$0x3FAD] =	sst s10  }
0x32: {  	s10 =	sld [smem:$0x3FAB];
	_ =	sdelay $0x3  }
0x33: {  	p0 =	seq.s32 s10, $0x1;
	s10 =	sld [smem:$0x3FAD];
	_ =	sdelay $0x3  }
0x34: {  	[smem:$0x3FAD] =	sst s10  }
0x35: {  	s10 =	sld [smem:$0x3FAC];
	_ =	sdelay $0x3  }
0x36: {  	p1 =	seq.s32 s10, $0x1;
	s10 =	sld [smem:$0x3FAD];
	_ =	sdelay $0x3  }
0x37: {  	[smem:$0x3FAD] =	sst s10  }
0x38: {  	s10 =	sld [smem:$0x3FAE]  }
0x39: {  	_ = 	snop;
	(pc) =	sbr.ind lr, $3  }
0x3a: {  	_ = 	snop  }
0x3b: {  	_ = 	snop  }
0x3c: {  	p2 =	seq.s32 s10, $0x1;
	s10 =	sld [smem:$0x3FAD]  }
0x3d: {  	_ =	shalt  }
0x3e: {  	_ =	shalt  }
0x3f: {  	_ =	shalt  }
0x40: {  	_ =	shalt  }
0x41: {  	_ =	shalt  }
0x42: {  	_ =	shalt  }
0x43: {  	_ =	shalt  }
0x44: {  	_ =	shalt  }
0x45: {  	_ =	shalt  }
0x46: {  	_ =	shalt  }
0x47: {  	_ =	shalt  }
0x48: {  	_ =	shalt  }
0x49: {  	_ =	shalt  }
0x4a: {  	_ =	shalt  }
0x4b: {  	_ =	shalt  }
0x4c: {  	_ =	shalt  }
0x4d: {  	_ =	shalt  }
0x4e: {  	_ =	shalt  }
0x4f: {  	_ =	shalt  }
0x50: {  	_ =	shalt  }
0x51: {  	_ =	shalt  }
0x52: {  	_ =	shalt  }
0x53: {  	_ =	shalt  }
0x54: {  	_ =	shalt  }
0x55: {  	_ =	shalt  }
0x56: {  	_ =	shalt  }
0x57: {  	_ =	shalt  }
0x58: {  	_ =	shalt  }
0x59: {  	_ =	shalt  }
0x5a: {  	_ =	shalt  }
0x5b: {  	_ =	shalt  }
0x5c: {  	_ =	shalt  }
0x5d: {  	_ =	shalt  }
0x5e: {  	_ =	shalt  }
0x5f: {  	_ =	shalt  }
0x60: {  	_ =	shalt  }
0x61: {  	_ =	shalt  }
0x62: {  	_ =	shalt  }
0x63: {  	_ =	shalt  }
0x64: {  	_ =	shalt  }
0x65: {  	_ =	shalt  }
0x66: {  	_ =	shalt  }
0x67: {  	_ =	shalt  }
0x68: {  	_ =	shalt  }
0x69: {  	_ =	shalt  }
0x6a: {  	_ =	shalt  }
0x6b: {  	_ =	shalt  }
0x6c: {  	_ =	shalt  }
0x6d: {  	_ =	shalt  }
0x6e: {  	_ =	shalt  }
0x6f: {  	_ =	shalt  }
0x70: {  	_ =	shalt  }
0x71: {  	_ =	shalt  }
0x72: {  	_ =	shalt  }
0x73: {  	_ =	shalt  }
0x74: {  	_ =	shalt  }
0x75: {  	_ =	shalt  }
0x76: {  	_ =	shalt  }
0x77: {  	_ =	shalt  }
0x78: {  	_ =	shalt  }
0x79: {  	_ =	shalt  }
0x7a: {  	_ =	shalt  }
0x7b: {  	_ =	shalt  }
0x7c: {  	_ =	shalt  }
0x7d: {  	_ =	shalt  }
0x7e: {  	_ =	shalt  }
0x7f: {  	_ =	shalt  }
0x80: {  	_ =	shalt  }
0x81: {  	_ =	shalt  }
0x82: {  	_ =	shalt  }
0x83: {  	_ =	shalt  }
0x84: {  	_ =	shalt  }
0x85: {  	_ =	shalt  }
0x86: {  	_ =	shalt  }
0x87: {  	_ =	shalt  }
.Lfunc_end0:
.L_simem_size_0:
called_computation.1_lowered:
.L_overlay_start_0:
0x88: {  	s2 =	sld [smem:$0x3FD9]  }
0x89: {  	s3 =	sld [smem:$0x3FFE];
	_ =	sdelay $0x1  }
0x8a: {  	s1 =	srdreg.scid  }
0x8b: {  	s0 =	sand.u32 $0x1, s1  }
0x8c: {  	s17 =	sshll.u32 s0, $0xA;
	s2 =	sadd.s32 s3, s2  }
0x8d: {  	s2 =	sadd.s32 s2, s17  }
0x8e: {  	[smem:$0x3FB9] =	sst s2  }
0x8f: {  	_ = 	snop  }
0x90: {  	s2 =	sld [smem:$0x3FD0];
	(tm) =	ssettm $0x1  }
0x91: {  	s18 =	sld [smem:$0x3FFB];
	_ =	sdelay $0x3  }
0x92: {  	_ =	strace s18  }
0x93: {  	s3 =	sld [smem:$0x3FFC];
	_ =	sdelay $0x3  }
0x94: {  	_ =	strace s3  }
0x95: {  	s3 =	sld [smem:$0x3FFD];
	_ =	sdelay $0x3  }
0x96: {  	_ =	strace s3  }
0x97: {  	_ =	strace $0x8FFFFFFF  }
0x98: {  	s19 =	sld [smem:$0x3FDB];
	_ =	sdelay $0x1  }
0x99: {  	s4 =	simm.s32 $_scs_section_size  }
0x9a: {  	s5 =	simm.s32 $_size__tile_overlayer_lowered;
	s6 =	simm.s32 $_tile_overlayer_lowered  }
0x9b: {  	s22 =	simm.s32 $0x1BFF;
	s21 =	sshll.u32 s6, $0x1;
	s3 =	sadd.s32 s4, s19  }
0x9c: {  	s7 =	simm.s32 $0x0;
	s20 =	sshll.u32 s5, $0x1;
	s5 =	sadd.s32 s21, s3  }
0x9d: {  	[timem:s7], [sflag:s22] =	dma.local [hbm:s5], s20  }
0x9e: {  	_ =	swait.ge [sflag:s22], s20  }
0x9f: {  	s4 =	ssub.s32 $0x0, s20;
	[sflag:s22] =	ssyncset.done $0x0  }
0xa0: {  	[sflag:s22] =	ssyncadd.s32 s4;
	_ =	sdelay $0x1  }
0xa1: {  	s23 =	simm.s32 $0x1B8B  }
0xa2: {  	_ =	swait.ge [sflag:s23], $0x1  }
0xa3: {  	[sflag:s23] =	ssyncset.done $0x0  }
0xa4: {  	s25 =	simm.s32 $0x1B8E;
	s24 =	sld [smem:$0x3FFE];
	[sflag:s23] =	ssyncadd.s32 $0xFFFFFFFF  }
0xa5: {  	s26 =	simm.s32 $execute0_lowered;
	[smem:$0x3FD2] =	sst s25  }
0xa6: {  	s5 =	sshll.u32 s26, $0x1;
	_ =	strace $0x80000049;
	[dreg:$0x1] =	wrdreg $0xFFFFFFFF  }
0xa7: {  	s28 =	simm.s32 $_size_execute0_lowered;
	s3 =	sadd.s32 s3, s5;
	[dreg:$0x0] =	wrdreg $0x0  }
0xa8: {  	s5 =	sshll.u32 s28, $0x1;
	[dreg:$0x2] =	wrdreg s3  }
0xa9: {  	[dreg:$0x3] =	wrdreg s5  }
0xaa: {  	[dreg:$0x4] =	wrdreg $0xC0  }
0xab: {  	_ =	task [dreg:s7], $0x5FFFF  }
0xac: {  	[dreg:$0x1] =	wrdreg $0xFFFFFFFF  }
0xad: {  	[dreg:$0x0] =	wrdreg $0x60  }
0xae: {  	[dreg:$0x2] =	wrdreg s24  }
0xaf: {  	[dreg:$0x3] =	wrdreg s2  }
0xb0: {  	[dreg:$0x4] =	wrdreg $0x11880  }
0xb1: {  	[dreg:$0x5] =	wrdreg $0x9  }
0xb2: {  	_ =	task.clear_ibuf [dreg:s7], $0x6FFFF;
	_ =	strace $0x90000049  }
0xb3: {  	s29 =	simm.s32 $0x9;
	_ =	strace $0x8000004B  }
0xb4: {  	_ =	swait.ge [sflag:s29], $0x1  }
0xb5: {  	[sflag:s29] =	ssyncadd.s32 $0xFFFFFFFF  }
0xb6: {  	_ =	strace $0x9000004B  }
0xb7: {  	_ =	sfence  }
0xb8: {  	s30 =	sld [smem:$0x0];
	_ =	sdelay $0x2  }
0xb9: {  	s31 =	sshll.u32 s1, $0xD;
	s1 =	sshrl.u32 s1, $0x2  }
0xba: {  	s3 =	sand.u32 $0x4000, s31;
	s1 =	sadd.s32 s1, s30  }
0xbb: {  	s0 =	sor.u32 s3, s0;
	s1 =	sshll.u32 s1, $0x11  }
0xbc: {  	s0 =	sor.u32 s1, s0  }
0xbd: {  	s0 =	sadd.s32 $0x8F2B, s0  }
0xbe: {  	[sflag:s0] =	ssyncadd.remote.s32 $0x1  }
0xbf: {  	_ =	sfence.sel $0xFFFF  }
0xc0: {  	[dreg:$0x0] =	wrdreg $0xFFFFFFFF;
	(pc) =	sbr.abs _section_cstart, $3  }
0xc1: {  	[dreg:$0x1] =	wrdreg $0xFFFFFFFF  }
0xc2: {  	_ =	task.clear_ibuf [dreg:s7], $0x2FFFF;
	_ =	strace $0x9FFFFFFF  }
0xc3: {  	(tm) =	ssettm $0x7FFFFFFF  }
tec
execute0_lowered:
.L_overlay_start_1:
0x0: {  	(tag) =	ssettag $0x1  }
0x1: {  	s4 =	rddreg [dreg:$0x0]  }
0x2: {  	s5 =	rddreg [dreg:$0x1]  }
0x3: {  	s2 =	rddreg [dreg:$0x2]  }
0x4: {  	s0 =	rddreg [dreg:$0x3]  }
0x5: {  	s6 =	srdreg.scid;
	s1 =	stileid.u32  }
0x6: {  	s3 =	simm.s32 $0x0;
	s18 =	simm.s32 $0x0;
	s21 =	smul.u32 $0x4E20, s1  }
0x7: {  	s9 =	sand.u32 $0x1, s6;
	[smem:$0x7FF] =	sst s3;
	s15 =	smul.u32 $0x2710, s1  }
0x8: {  	s10 =	sadd.s32 $0xA8E00, s4;
	s11 =	sadd.s32 $0x7A00, s4;
	s17 =	smul.u32 $0x9C40, s1  }
0x9: {  	s12 =	sshll.u32 s1, $0x1;
	s26 =	sshll.u32 s1, $0x6;
	s7 =	smul.u32 $0x4E200, s9  }
0xa: {  	_ =	strace $0x8000004A;
	s8 =	ssub.s32 $0x2, s9;
	s16 =	smul.u32 $0x1388, s9  }
0xb: {  	s23 =	sor.u32 s9, s12;
	s30 =	smul.u32 $0x4E20, s9;
	s22 =	sshrl.u32 s8, $0x1  }
0xc: {  	s25 =	sshrl.u32 s21, $0x3;
	s14 =	sadd.s32 s21, s2;
	s7 =	sadd.s32 s21, s7  }
0xd: {  	s24 =	ssub.s32 s8, s22;
	s15 =	sadd.s32 s16, s15;
	s12 =	sshrl.u32 s14, $0x3  }
0xe: {  	s14 =	simm.s32 $0x80;
	s16 =	simm.s32 $0x1088;
	s7 =	sshrl.u32 s7, $0x3  }
0xf: {  	s9 =	smax.u32 s24, $0x1;
	s13 =	sadd.s32 s7, s4;
	s7 =	smul.u32 $0x1388, s23  }
0x10: {  	s31 =	sshrl.u32 s15, $0x3;
	s15 =	simm.s32 $0x1080;
	s4 =	sadd.s32 s5, s25  }
0x11: {  	s5 =	sor.u32 $0x1C01, s26;
	s8 =	sadd.s32 $0xCA00, s13;
	s28 =	sadd.s32 $0x1380, s7  }
0x12: {  	s13 =	simm.s32 $0x1;
	s7 =	sshrl.u32 s28, $0x3;
	s29 =	sshll.u32 s28, $0x2  }
0x13: {  	s6 =	sadd.s32 s11, s7;
	s7 =	sadd.s32 s10, s29;
	s10 =	sadd.s32 s17, s10  }
0x14: {  	s11 =	sadd.s32 s31, s11;
	s17 =	simm.s32 $0x8;
	s10 =	sadd.s32 s30, s10  }
.LBB2_1:
0x15: {  	[spmem:s12], [sflag:s5] =	dma.local [hbm:s4], $0x9C4  }
0x16: {  	_ =	swait.ge [sflag:s13], $0x9C4  }
0x17: {  	[sflag:s13] =	ssyncset.done $0x0  }
0x18: {  	[sflag:s13] =	ssyncadd.s32 $0xFFFFF63C  }
0x19: {  	s19 =	sadd.s32 $0x0, s11;
	[bflag:$0x0] =	sbarrier.arrive $0xFFFF  }
0x1a: {  	[tilespmem:s3], [sflag:$0x1] =	stream.linear.gather [hbm4b:s19+s3], $0x80, $0x38;
	[tilespmem:$0x5FA8] =	vst v63  }
0x1b: {  	_ =	swait.ge [sflag:s13], $0x80  }
0x1c: {  	[sflag:s13] =	ssyncset.done $0x0  }
0x1d: {  	[sflag:s13] =	ssyncadd.s32 $0xFFFFFF80  }
0x1e: {  	[tilespmem:s14], [sflag:$0x1] =	stream.linear.gather [hbm4b:s10+s3], $0x1000, $0x38;
	[tilespmem:$0x5FA8] =	vst v63  }
0x1f: {  	_ =	swait.ge [sflag:s13], $0x1000  }
0x20: {  	[sflag:s13] =	ssyncset.done $0x0  }
0x21: {  	[sflag:s13] =	ssyncadd.s32 $0xFFFFF000  }
0x22: {  	[spmem:s2] =	stream.indirect.scatter.add.f32 [tilespmem:s14], [sflag:$0x1], $0x20, s3, s14, $0xb8;
	[tilespmem:$0x5FA8] =	vst v63  }
0x23: {  	s20 =	simm.s32 $0x10;
	_ =	swait.ge [sflag:s13], $0x1000  }
0x24: {  	s21 =	simm.s32 $0x20;
	s19 =	sadd.s32 $0x200, s10;
	[sflag:s13] =	ssyncset.done $0x0  }
.LBB2_2:
0x25: {  	s22 =	sadd.s32 s20, s11  }
0x26: {  	[sflag:s13] =	ssyncadd.s32 $0xFFFFF000;
	s20 =	smov.u32 s21;
	s23 =	sadd.s32 $0x10, s21  }
0x27: {  	[tilespmem:s3], [sflag:$0x1] =	stream.linear.gather [hbm4b:s22+s3], $0x80, $0x38;
	[tilespmem:$0x5FA8] =	vst v63  }
0x28: {  	p0 =	sne.s32 s21, $0x260;
	_ =	swait.ge [sflag:s13], $0x80  }
0x29: {  	[sflag:s13] =	ssyncset.done $0x0  }
0x2a: {  	[sflag:s13] =	ssyncadd.s32 $0xFFFFFF80  }
0x2b: {  	[tilespmem:s14], [sflag:$0x1] =	stream.linear.gather [hbm4b:s19+s3], $0x1000, $0x38;
	[tilespmem:$0x5FA8] =	vst v63  }
0x2c: {  	_ =	swait.ge [sflag:s13], $0x1000  }
.Ltmp0:
0x2d: {  	[sflag:s13] =	ssyncset.done $0x0;
	(pc) =	sbr.rel @p0 .LBB2_2-.Ltmp0, $4  }
0x2e: {  	[sflag:s13] =	ssyncadd.s32 $0xFFFFF000  }
0x2f: {  	[spmem:s2] =	stream.indirect.scatter.add.f32 [tilespmem:s14], [sflag:$0x1], $0x20, s3, s14, $0xb8;
	[tilespmem:$0x5FA8] =	vst v63  }
0x30: {  	_ =	swait.ge [sflag:s13], $0x1000  }
0x31: {  	s21 =	smov.u32 s23;
	s19 =	sadd.s32 $0x200, s19;
	[sflag:s13] =	ssyncset.done $0x0  }
0x32: {  	s20 =	sadd.s32 s20, s11;
	[sflag:s13] =	ssyncadd.s32 $0xFFFFF000  }
0x33: {  	[tilespmem:s3], [sflag:$0x1] =	stream.linear.gather [hbm4b:s20+s3], $0x80, $0x38;
	[tilespmem:$0x5FA8] =	vst v63  }
0x34: {  	_ =	swait.ge [sflag:s13], $0x80  }
0x35: {  	[sflag:s13] =	ssyncset.done $0x0  }
0x36: {  	[sflag:s13] =	ssyncadd.s32 $0xFFFFFF80  }
0x37: {  	[tilespmem:s14], [sflag:$0x1] =	stream.linear.gather [hbm4b:s19+s3], $0x1000, $0x38;
	[tilespmem:$0x5FA8] =	vst v63  }
0x38: {  	_ =	swait.ge [sflag:s13], $0x1000  }
0x39: {  	[sflag:s13] =	ssyncset.done $0x0  }
0x3a: {  	[sflag:s13] =	ssyncadd.s32 $0xFFFFF000  }
0x3b: {  	[spmem:s2] =	stream.indirect.scatter.add.f32 [tilespmem:s14], [sflag:$0x1], $0x20, s3, s14, $0xb8;
	[tilespmem:$0x5FA8] =	vst v63  }
0x3c: {  	_ =	swait.ge [sflag:s13], $0x1000  }
0x3d: {  	[sflag:s13] =	ssyncset.done $0x0  }
0x3e: {  	[sflag:s13] =	ssyncadd.s32 $0xFFFFF000  }
0x3f: {  	[tilespmem:s15], [sflag:$0x1] =	stream.linear.gather [hbm4b:s6+s3], $0x8, $0x38;
	[tilespmem:$0x5FA8] =	vst v63  }
0x40: {  	_ =	swait.ge [sflag:s13], $0x8  }
0x41: {  	[sflag:s13] =	ssyncset.done $0x0  }
0x42: {  	[sflag:s13] =	ssyncadd.s32 $0xFFFFFFF8  }
0x43: {  	[tilespmem:s16], [sflag:$0x1] =	stream.linear.gather [hbm4b:s7+s3], $0x100, $0x38;
	[tilespmem:$0x5FA8] =	vst v63  }
0x44: {  	_ =	swait.ge [sflag:s13], $0x100  }
0x45: {  	[sflag:s13] =	ssyncset.done $0x0  }
0x46: {  	[sflag:s13] =	ssyncadd.s32 $0xFFFFFF00  }
0x47: {  	[spmem:s2] =	stream.indirect.scatter.add.f32 [tilespmem:s16], [sflag:$0x1], $0x20, s15, s17, $0xb8;
	[tilespmem:$0x5FA8] =	vst v63  }
0x48: {  	_ =	swait.ge [sflag:s13], $0x100  }
0x49: {  	s18 =	sadd.s32 $0x1, s18;
	[sflag:s13] =	ssyncset.done $0x0  }
0x4a: {  	p0 =	sne.s32 s18, s9;
	[sflag:s13] =	ssyncadd.s32 $0xFFFFFF00  }
.Ltmp1:
0x4b: {  	[bflag:$0x0] =	sbarrier.arrive $0xFFFF;
	(pc) =	sbr.rel @p0 .LBB2_1-.Ltmp1, $4  }
0x4c: {  	[hbm:s8], [sflag:s5] =	dma.local [spmem:s12], $0x9C4  }
0x4d: {  	_ =	swait.ge [sflag:s13], $0x9C4  }
0x4e: {  	[sflag:s13] =	ssyncset.done $0x0  }
0x4f: {  	[sflag:s13] =	ssyncadd.s32 $0xFFFFF63C  }
0x50: {  	_ =	sfence.sel $0x180000  }
0x51: {  	[bflag:$0x0] =	sbarrier.arrive $0xFFFF  }
0x52: {  	p0 =	sne.s32 s1, $0x0;
	_ =	strace $0x9000004A  }
0x53: {  	s0 =	sadd.s32 @!p0 $0x100000, s0;
	[bflag:$0x2] =	sbarrier.arrive $0xFFFF  }
0x54: {  	[sflag:s0] =	ssyncadd.tile.s32 @!p0 $0x1;
	_ =	shalt  }
.Lfunc_end2:
_tile_overlayer_lowered:
.L_overlay_start_2:
0x55: {  	(tag) =	ssettag $0x2  }
0x56: {  	s0 =	rddreg [dreg:$0x0];
	s2 =	stileid.u32  }
0x57: {  	s1 =	rddreg [dreg:$0x1];
	p0 =	sne.s32 s2, $0x0  }
0x58: {  	s3 =	rddreg [dreg:$0x2];
	[bflag:$0x3] =	sbarrier.arrive $0xFFFF;
	s2 =	simm.s32 @!p0 $0x1C01  }
0x59: {  	[timem:s3], [sflag:s2] =	dma.local @!p0 [hbm:s0], s1  }
0x5a: {  	s0 =	simm.s32 @!p0 $0x1  }
0x5b: {  	_ =	swait.ge @!p0 [sflag:s0], s1  }
0x5c: {  	s1 =	ssub.s32 @!p0 $0x0, s1;
	[sflag:s0] =	ssyncset.done @!p0 $0x0  }
0x5d: {  	[sflag:s0] =	ssyncadd.s32 @!p0 s1  }
0x5e: {  	[bflag:$0x3] =	sbarrier.arrive $0xFFFF  }
0x5f: {  	_ =	shalt  }

// kernel: kernel.7.cloned.1.call-start
scs
__scs_entry_jumppad:
0x0: {  	(pc) =	sbr.rel $0x88, $3  }
0x1: {  	(tag) =	ssettag $0x0;
	lr =	simm.s32 $0x1  }
0x2: {  	[smem:$0x3F92] =	sst lr;
	_ =	strace $0xD0000000  }
0x3: {  	_ = 	snop  }
0x4: {  	_ = 	snop  }
0x5: {  	_ = 	snop  }
0x6: {  	_ = 	snop  }
0x7: {  	_ = 	snop  }
__scs_overlays_trampoline_lowered:
0x8: {  	[smem:$0x3FA1] =	sst s0  }
0x9: {  	[smem:$0x3FA2] =	sst s1  }
0xa: {  	[smem:$0x3FA3] =	sst s2  }
0xb: {  	[smem:$0x3FA4] =	sst s3  }
0xc: {  	[smem:$0x3FA5] =	sst s4  }
0xd: {  	[smem:$0x3FA6] =	sst s5  }
0xe: {  	[smem:$0x3FA7] =	sst s6  }
0xf: {  	[smem:$0x3FA8] =	sst s7  }
0x10: {  	[smem:$0x3FA9] =	sst s8  }
0x11: {  	[smem:$0x3FAA] =	sst s9;
	s0 =	simm.s32 @!p0 $0x0  }
0x12: {  	s1 =	sld [smem:$0x3F90];
	s0 =	simm.s32 @p0 $0x1  }
0x13: {  	[smem:$0x3FAB] =	sst s0;
	s0 =	simm.s32 @!p1 $0x0  }
0x14: {  	s2 =	sld [smem:$0x3F8F];
	s0 =	simm.s32 @p1 $0x1  }
0x15: {  	[smem:$0x3FAC] =	sst s0;
	s0 =	simm.s32 @!p2 $0x0  }
0x16: {  	s3 =	sld [smem:$0x3FDB];
	s0 =	simm.s32 @p2 $0x1  }
0x17: {  	s4 =	simm.s32 $0x1BF5;
	[smem:$0x3FAE] =	sst s0  }
0x18: {  	s0 =	sld [smem:$0x3F91];
	_ =	swait.ge [sflag:s4], $0x0  }
0x19: {  	s7 =	sld [smem:$0x3F92]  }
0x1a: {  	s8 =	sadd.s32 $0xFFFFE003, lr  }
0x1b: {  	s9 =	sadd.s32 $0xFFFFFEF7, lr;
	s5 =	simm.s32 $0xFFFFFFFF;
	p2 =	slt.u32 s8, $0xFFFFF086  }
0x1c: {  	p1 =	slt.u32 s9, $0xF7A;
	s5 =	simm.s32 @!p2 $0x0  }
0x1d: {  	s5 =	simm.s32 @p1 $0x1;
	p0 =	seq.s32 s7, s2  }
0x1e: {  	s7 =	smul.u32 @!p0 $0xF7A, s2;
	p2 =	seq.s32 @!p0 s5, $0x0  }
0x1f: {  	s9 =	smul.u32 $0xF7A, s1;
	s8 =	simm.s32 @!p0 $0x1BF5;
	p2 =	por !p2, p0  }
0x20: {  	[sflag:s8] =	ssyncset.s32 @!p0 $0xFFFFF086;
	s6 =	sadd.s32 @!p0 s3, s7;
	s7 =	simm.s32 @!p0 $0x108  }
0x21: {  	s3 =	sadd.s32 s3, s9;
	s6 =	sadd.s32 @!p0 $0x88, s6;
	s7 =	simm.s32 @p2 $0x1082  }
0x22: {  	[simem:s7], [sflag:s8] =	dma.local @!p0 [hbm:s6], $0xF7A  }
0x23: {  	s9 =	sor.u32 $0xD0000000, s2;
	s6 =	simm.s32 $0x108;
	_ =	swait.ge @!p0 [sflag:s8], $0x0  }
0x24: {  	s3 =	sadd.s32 $0x88, s3;
	s6 =	simm.s32 @!p1 $0x1082;
	[sflag:s4] =	ssyncset.s32 $0xFFFFF086  }
0x25: {  	[simem:s6], [sflag:s4] =	dma.local [hbm:s3], $0xF7A  }
0x26: {  	[smem:$0x3F92] =	sst s1;
	(tag) =	ssettag s2;
	_ =	strace s9  }
0x27: {  	s1 =	sld [smem:$0x3FA2]  }
0x28: {  	s2 =	sld [smem:$0x3FA3]  }
0x29: {  	s4 =	sld [smem:$0x3FA5]  }
0x2a: {  	p0 =	seq.s32 s5, $0x0;
	s5 =	sld [smem:$0x3FA6]  }
0x2b: {  	s6 =	sld [smem:$0x3FA7]  }
0x2c: {  	s7 =	sld [smem:$0x3FA8]  }
0x2d: {  	s3 =	simm.s32 $0x108;
	s8 =	sld [smem:$0x3FA9]  }
0x2e: {  	s3 =	simm.s32 @!p0 $0x1082;
	s9 =	sld [smem:$0x3FAA]  }
0x2f: {  	lr =	sadd.s32 s0, s3;
	s0 =	sld [smem:$0x3FA1]  }
0x30: {  	s3 =	sld [smem:$0x3FA4]  }
0x31: {  	[smem:$0x3FAD] =	sst s10  }
0x32: {  	s10 =	sld [smem:$0x3FAB];
	_ =	sdelay $0x3  }
0x33: {  	p0 =	seq.s32 s10, $0x1;
	s10 =	sld [smem:$0x3FAD];
	_ =	sdelay $0x3  }
0x34: {  	[smem:$0x3FAD] =	sst s10  }
0x35: {  	s10 =	sld [smem:$0x3FAC];
	_ =	sdelay $0x3  }
0x36: {  	p1 =	seq.s32 s10, $0x1;
	s10 =	sld [smem:$0x3FAD];
	_ =	sdelay $0x3  }
0x37: {  	[smem:$0x3FAD] =	sst s10  }
0x38: {  	s10 =	sld [smem:$0x3FAE]  }
0x39: {  	_ = 	snop;
	(pc) =	sbr.ind lr, $3  }
0x3a: {  	_ = 	snop  }
0x3b: {  	_ = 	snop  }
0x3c: {  	p2 =	seq.s32 s10, $0x1;
	s10 =	sld [smem:$0x3FAD]  }
0x3d: {  	_ =	shalt  }
0x3e: {  	_ =	shalt  }
0x3f: {  	_ =	shalt  }
0x40: {  	_ =	shalt  }
0x41: {  	_ =	shalt  }
0x42: {  	_ =	shalt  }
0x43: {  	_ =	shalt  }
0x44: {  	_ =	shalt  }
0x45: {  	_ =	shalt  }
0x46: {  	_ =	shalt  }
0x47: {  	_ =	shalt  }
0x48: {  	_ =	shalt  }
0x49: {  	_ =	shalt  }
0x4a: {  	_ =	shalt  }
0x4b: {  	_ =	shalt  }
0x4c: {  	_ =	shalt  }
0x4d: {  	_ =	shalt  }
0x4e: {  	_ =	shalt  }
0x4f: {  	_ =	shalt  }
0x50: {  	_ =	shalt  }
0x51: {  	_ =	shalt  }
0x52: {  	_ =	shalt  }
0x53: {  	_ =	shalt  }
0x54: {  	_ =	shalt  }
0x55: {  	_ =	shalt  }
0x56: {  	_ =	shalt  }
0x57: {  	_ =	shalt  }
0x58: {  	_ =	shalt  }
0x59: {  	_ =	shalt  }
0x5a: {  	_ =	shalt  }
0x5b: {  	_ =	shalt  }
0x5c: {  	_ =	shalt  }
0x5d: {  	_ =	shalt  }
0x5e: {  	_ =	shalt  }
0x5f: {  	_ =	shalt  }
0x60: {  	_ =	shalt  }
0x61: {  	_ =	shalt  }
0x62: {  	_ =	shalt  }
0x63: {  	_ =	shalt  }
0x64: {  	_ =	shalt  }
0x65: {  	_ =	shalt  }
0x66: {  	_ =	shalt  }
0x67: {  	_ =	shalt  }
0x68: {  	_ =	shalt  }
0x69: {  	_ =	shalt  }
0x6a: {  	_ =	shalt  }
0x6b: {  	_ =	shalt  }
0x6c: {  	_ =	shalt  }
0x6d: {  	_ =	shalt  }
0x6e: {  	_ =	shalt  }
0x6f: {  	_ =	shalt  }
0x70: {  	_ =	shalt  }
0x71: {  	_ =	shalt  }
0x72: {  	_ =	shalt  }
0x73: {  	_ =	shalt  }
0x74: {  	_ =	shalt  }
0x75: {  	_ =	shalt  }
0x76: {  	_ =	shalt  }
0x77: {  	_ =	shalt  }
0x78: {  	_ =	shalt  }
0x79: {  	_ =	shalt  }
0x7a: {  	_ =	shalt  }
0x7b: {  	_ =	shalt  }
0x7c: {  	_ =	shalt  }
0x7d: {  	_ =	shalt  }
0x7e: {  	_ =	shalt  }
0x7f: {  	_ =	shalt  }
0x80: {  	_ =	shalt  }
0x81: {  	_ =	shalt  }
0x82: {  	_ =	shalt  }
0x83: {  	_ =	shalt  }
0x84: {  	_ =	shalt  }
0x85: {  	_ =	shalt  }
0x86: {  	_ =	shalt  }
0x87: {  	_ =	shalt  }
.Lfunc_end0:
.L_simem_size_0:
called_computation_lowered:
.L_overlay_start_0:
0x88: {  	s2 =	sld [smem:$0x3FD9]  }
0x89: {  	s3 =	sld [smem:$0x3FFE];
	_ =	sdelay $0x1  }
0x8a: {  	s1 =	srdreg.scid  }
0x8b: {  	s0 =	sand.u32 $0x1, s1  }
0x8c: {  	s17 =	sshll.u32 s0, $0xA;
	s2 =	sadd.s32 s3, s2  }
0x8d: {  	s2 =	sadd.s32 s2, s17  }
0x8e: {  	[smem:$0x3FB9] =	sst s2  }
0x8f: {  	_ = 	snop  }
0x90: {  	s2 =	sld [smem:$0x3FD0];
	(tm) =	ssettm $0x1  }
0x91: {  	s18 =	sld [smem:$0x3FFB];
	_ =	sdelay $0x3  }
0x92: {  	_ =	strace s18  }
0x93: {  	s3 =	sld [smem:$0x3FFC];
	_ =	sdelay $0x3  }
0x94: {  	_ =	strace s3  }
0x95: {  	s3 =	sld [smem:$0x3FFD];
	_ =	sdelay $0x3  }
0x96: {  	_ =	strace s3  }
0x97: {  	_ =	strace $0x8FFFFFFF  }
0x98: {  	s19 =	sld [smem:$0x3FDB];
	_ =	sdelay $0x1  }
0x99: {  	s4 =	simm.s32 $_scs_section_size  }
0x9a: {  	s5 =	simm.s32 $_size__tile_overlayer_lowered;
	s6 =	simm.s32 $_tile_overlayer_lowered  }
0x9b: {  	s22 =	simm.s32 $0x1BFF;
	s21 =	sshll.u32 s6, $0x1;
	s3 =	sadd.s32 s4, s19  }
0x9c: {  	s7 =	simm.s32 $0x0;
	s20 =	sshll.u32 s5, $0x1;
	s5 =	sadd.s32 s21, s3  }
0x9d: {  	[timem:s7], [sflag:s22] =	dma.local [hbm:s5], s20  }
0x9e: {  	_ =	swait.ge [sflag:s22], s20  }
0x9f: {  	s4 =	ssub.s32 $0x0, s20;
	[sflag:s22] =	ssyncset.done $0x0  }
0xa0: {  	[sflag:s22] =	ssyncadd.s32 s4;
	_ =	sdelay $0x1  }
0xa1: {  	s23 =	simm.s32 $0x1B8B  }
0xa2: {  	_ =	swait.ge [sflag:s23], $0x1  }
0xa3: {  	[sflag:s23] =	ssyncset.done $0x0  }
0xa4: {  	s25 =	simm.s32 $0x1B8E;
	s24 =	sld [smem:$0x3FFE];
	[sflag:s23] =	ssyncadd.s32 $0xFFFFFFFF  }
0xa5: {  	s26 =	simm.s32 $execute0_lowered;
	[smem:$0x3FD2] =	sst s25  }
0xa6: {  	s5 =	sshll.u32 s26, $0x1;
	_ =	strace $0x80000046;
	[dreg:$0x1] =	wrdreg $0xFFFFFFFF  }
0xa7: {  	s28 =	simm.s32 $_size_execute0_lowered;
	s3 =	sadd.s32 s3, s5;
	[dreg:$0x0] =	wrdreg $0x0  }
0xa8: {  	s5 =	sshll.u32 s28, $0x1;
	[dreg:$0x2] =	wrdreg s3  }
0xa9: {  	[dreg:$0x3] =	wrdreg s5  }
0xaa: {  	[dreg:$0x4] =	wrdreg $0xC0  }
0xab: {  	_ =	task [dreg:s7], $0x5FFFF  }
0xac: {  	[dreg:$0x1] =	wrdreg $0xFFFFFFFF  }
0xad: {  	[dreg:$0x0] =	wrdreg $0x60  }
0xae: {  	[dreg:$0x2] =	wrdreg s2  }
0xaf: {  	[dreg:$0x3] =	wrdreg s24  }
0xb0: {  	[dreg:$0x4] =	wrdreg $0x9  }
0xb1: {  	_ =	task.clear_ibuf [dreg:s7], $0x5FFFF;
	_ =	strace $0x90000046  }
0xb2: {  	s29 =	simm.s32 $0x9;
	_ =	strace $0x80000048  }
0xb3: {  	_ =	swait.ge [sflag:s29], $0x1  }
0xb4: {  	[sflag:s29] =	ssyncadd.s32 $0xFFFFFFFF  }
0xb5: {  	_ =	strace $0x90000048  }
0xb6: {  	_ =	sfence  }
0xb7: {  	s30 =	sld [smem:$0x0];
	_ =	sdelay $0x2  }
0xb8: {  	s31 =	sshll.u32 s1, $0xD;
	s1 =	sshrl.u32 s1, $0x2  }
0xb9: {  	s3 =	sand.u32 $0x4000, s31;
	s1 =	sadd.s32 s1, s30  }
0xba: {  	s0 =	sor.u32 s3, s0;
	s1 =	sshll.u32 s1, $0x11  }
0xbb: {  	s0 =	sor.u32 s1, s0  }
0xbc: {  	s0 =	sadd.s32 $0x8F2B, s0  }
0xbd: {  	[sflag:s0] =	ssyncadd.remote.s32 $0x1  }
0xbe: {  	_ =	sfence.sel $0xFFFF  }
0xbf: {  	[dreg:$0x0] =	wrdreg $0xFFFFFFFF;
	(pc) =	sbr.abs _section_cstart, $3  }
0xc0: {  	[dreg:$0x1] =	wrdreg $0xFFFFFFFF  }
0xc1: {  	_ =	task.clear_ibuf [dreg:s7], $0x2FFFF;
	_ =	strace $0x9FFFFFFF  }
0xc2: {  	(tm) =	ssettm $0x7FFFFFFF  }
0xc3: {  	_ =	shalt  }
tec
execute0_lowered:
.L_overlay_start_1:
0x0: {  	(tag) =	ssettag $0x1  }
0x1: {  	s2 =	rddreg [dreg:$0x0]  }
0x2: {  	s1 =	srdreg.scid;
	s0 =	stileid.u32  }
0x3: {  	s4 =	rddreg [dreg:$0x1];
	s3 =	simm.s32 $0x0;
	s11 =	simm.s32 $0x1  }
0x4: {  	s12 =	simm.s32 $0x8;
	s13 =	simm.s32 $0x1380;
	s14 =	simm.s32 $0x2388  }
0x5: {  	s15 =	simm.s32 $0x0;
	s5 =	sand.u32 $0x1, s1;
	s6 =	sshll.u32 s0, $0x1  }
0x6: {  	s1 =	rddreg [dreg:$0x2];
	s10 =	smul.u32 $0x9C40, s0;
	s6 =	sor.u32 s5, s6  }
0x7: {  	[smem:$0x7FF] =	sst s3;
	s9 =	sadd.s32 $0xCA00, s4;
	s7 =	smul.u32 $0x1388, s6  }
0x8: {  	_ =	strace $0x80000047;
	s8 =	ssub.s32 $0x2, s5;
	s6 =	smul.u32 $0x27100, s6  }
0x9: {  	s30 =	smul.u32 $0x4E20, s5;
	s29 =	sshrl.u32 s8, $0x1;
	s31 =	sadd.s32 s10, s9  }
0xa: {  	s10 =	simm.s32 $0x1388;
	s7 =	sshrl.u32 s7, $0x3;
	s6 =	sshrl.u32 s6, $0x3  }
0xb: {  	s8 =	ssub.s32 s8, s29;
	s7 =	sadd.s32 s7, s4;
	s6 =	sadd.s32 s9, s6  }
0xc: {  	s9 =	simm.s32 $0x80;
	s4 =	sadd.s32 $0x2A00, s7;
	s5 =	sadd.s32 $0x4E00, s6  }
0xd: {  	s6 =	smax.u32 s8, $0x1;
	s7 =	sadd.s32 s30, s31;
	s8 =	simm.s32 $0x2  }
.LBB2_1:
0xe: {  	[tilespmem:s3], [sflag:$0x2] =	stream.linear.gather [hbm4b:s4+s3], $0x1388, $0x38;
	[tilespmem:$0x2488] =	vst v63  }
0xf: {  	_ =	swait.ge [sflag:s8], $0x1388  }
0x10: {  	[sflag:s8] =	ssyncset.done $0x0  }
0x11: {  	s16 =	simm.s32 $0x0;
	[sflag:s8] =	ssyncadd.s32 $0xFFFFEC78  }
0x12: {  	[tilespmem:s10], [sflag:$0x1] =	stream.indirect.gather [hbm4b:s2+s9], $0x20, s16, s9, $0xb8;
	[tilespmem:$0x2488] =	vst v63  }
0x13: {  	_ =	swait.ge [sflag:s11], $0x1000  }
0x14: {  	[sflag:s11] =	ssyncset.done $0x0  }
0x15: {  	s31 =	sadd.s32 $0x0, s7;
	[sflag:s11] =	ssyncadd.s32 $0xFFFFF000  }
0x16: {  	[hbm4b:s31+s3] =	stream.linear.scatter [tilespmem:s10], [sflag:$0x2], $0x1000, $0x38;
	[tilespmem:$0x2488] =	vst v63  }
0x17: {  	_ =	swait.ge [sflag:s8], $0x1000  }
0x18: {  	s17 =	simm.s32 $0x400;
	s16 =	simm.s32 $0x200;
	[sflag:s8] =	ssyncset.done $0x0  }
.LBB2_2:
0x19: {  	s18 =	sshra.s32 s16, $0x2  }
0x1a: {  	[sflag:s8] =	ssyncadd.s32 $0xFFFFF000;
	s19 =	smov.u32 s17;
	s20 =	sadd.s32 $0x200, s17  }
0x1b: {  	[tilespmem:s10], [sflag:$0x1] =	stream.indirect.gather [hbm4b:s2+s9], $0x20, s18, s9, $0xb8;
	[tilespmem:$0x2488] =	vst v63  }
0x1c: {  	p0 =	sne.s32 s17, $0x4C00;
	_ =	swait.ge [sflag:s11], $0x1000  }
.Ltmp0:
0x1d: {  	[sflag:s11] =	ssyncset.done $0x0;
	(pc) =	sbr.rel @p0 .LBB2_2-.Ltmp0, $4  }
0x1e: {  	s17 =	sadd.s32 s16, s7;
	s16 =	smov.u32 s19;
	[sflag:s11] =	ssyncadd.s32 $0xFFFFF000  }
0x1f: {  	[hbm4b:s17+s3] =	stream.linear.scatter [tilespmem:s10], [sflag:$0x2], $0x1000, $0x38;
	[tilespmem:$0x2488] =	vst v63  }
0x20: {  	_ =	swait.ge [sflag:s8], $0x1000  }
0x21: {  	s17 =	smov.u32 s20;
	[sflag:s8] =	ssyncset.done $0x0  }
0x22: {  	s17 =	sshra.s32 s16, $0x2;
	[sflag:s8] =	ssyncadd.s32 $0xFFFFF000  }
0x23: {  	[tilespmem:s10], [sflag:$0x1] =	stream.indirect.gather [hbm4b:s2+s9], $0x20, s17, s9, $0xb8;
	[tilespmem:$0x2488] =	vst v63  }
0x24: {  	_ =	swait.ge [sflag:s11], $0x1000  }
0x25: {  	[sflag:s11] =	ssyncset.done $0x0  }
0x26: {  	s31 =	sadd.s32 s16, s7;
	[sflag:s11] =	ssyncadd.s32 $0xFFFFF000  }
0x27: {  	[hbm4b:s31+s3] =	stream.linear.scatter [tilespmem:s10], [sflag:$0x2], $0x1000, $0x38;
	[tilespmem:$0x2488] =	vst v63  }
0x28: {  	_ =	swait.ge [sflag:s8], $0x1000  }
0x29: {  	[sflag:s8] =	ssyncset.done $0x0  }
0x2a: {  	[sflag:s8] =	ssyncadd.s32 $0xFFFFF000  }
0x2b: {  	[tilespmem:s14], [sflag:$0x1] =	stream.indirect.gather [hbm4b:s2+s12], $0x20, s13, s12, $0xb8;
	[tilespmem:$0x2488] =	vst v63  }
0x2c: {  	s15 =	sadd.s32 $0x1, s15;
	_ =	swait.ge [sflag:s11], $0x100  }
0x2d: {  	p0 =	sne.s32 s15, s6;
	[sflag:s11] =	ssyncset.done $0x0  }
.Ltmp1:
0x2e: {  	[sflag:s11] =	ssyncadd.s32 $0xFFFFFF00;
	(pc) =	sbr.rel @p0 .LBB2_1-.Ltmp1, $4  }
0x2f: {  	[hbm4b:s5+s3] =	stream.linear.scatter [tilespmem:s14], [sflag:$0x2], $0x100, $0x38;
	[tilespmem:$0x2488] =	vst v63  }
0x30: {  	_ =	swait.ge [sflag:s8], $0x100  }
0x31: {  	[sflag:s8] =	ssyncset.done $0x0  }
0x32: {  	[sflag:s8] =	ssyncadd.s32 $0xFFFFFF00  }
0x33: {  	_ =	sfence.sel $0x180000  }
0x34: {  	[bflag:$0x0] =	sbarrier.arrive $0xFFFF  }
0x35: {  	p0 =	sne.s32 s0, $0x0;
	_ =	strace $0x90000047  }
0x36: {  	s0 =	sadd.s32 @!p0 $0x100000, s1;
	[bflag:$0x2] =	sbarrier.arrive $0xFFFF  }
0x37: {  	[sflag:s0] =	ssyncadd.tile.s32 @!p0 $0x1;
	_ =	shalt  }
.Lfunc_end2:
_tile_overlayer_lowered:
.L_overlay_start_2:
0x38: {  	(tag) =	ssettag $0x2  }
0x39: {  	s0 =	rddreg [dreg:$0x0];
	s2 =	stileid.u32  }
0x3a: {  	s1 =	rddreg [dreg:$0x1];
	p0 =	sne.s32 s2, $0x0  }
0x3b: {  	s3 =	rddreg [dreg:$0x2];
	[bflag:$0x3] =	sbarrier.arrive $0xFFFF;
	s2 =	simm.s32 @!p0 $0x1C02  }
0x3c: {  	[timem:s3], [sflag:s2] =	dma.local @!p0 [hbm:s0], s1  }
0x3d: {  	s0 =	simm.s32 @!p0 $0x2  }
0x3e: {  	_ =	swait.ge @!p0 [sflag:s0], s1  }
0x3f: {  	s1 =	ssub.s32 @!p0 $0x0, s1;
	[sflag:s0] =	ssyncset.done @!p0 $0x0  }
0x40: {  	[sflag:s0] =	ssyncadd.s32 @!p0 s1  }
0x41: {  	[bflag:$0x3] =	sbarrier.arrive $0xFFFF  }
0x42: {  	_ =	shalt  }

</sc_bundles>
